<compile_context>
chip_gen: v7x
topology: tpu7x:2x2x1
jax: 0.10.2.dev20260603
libtpu: 0.0.44.dev20260713+nightly
codegen_flags: <defaults>
</compile_context>

<pallas_src>
import dataclasses
import functools

import jax
import jax.numpy as jnp
from jax import lax
from jax.experimental import pallas as pl
from jax.experimental.pallas import tpu as pltpu
from jax.experimental.pallas import tpu_sc as plsc

NC = 2
NS = 16
CHUNK = 128
F = 128




@functools.lru_cache(maxsize=None)
def _make_sc_agg(n, n_pad, kc):
  mesh = plsc.VectorSubcoreMesh(core_axis_name="c", subcore_axis_name="s",
                                num_cores=NC, num_subcores=NS)
  zrows = n_pad // NS
  KR = (n_pad // F + 1 + 7) // 8 * 8

  out_type = [
      jax.ShapeDtypeStruct((NC, n_pad, F), jnp.float32),
      jax.ShapeDtypeStruct((NC, NS, KR, F), jnp.float32),
  ]
  scratch = [
      pltpu.VMEM((kc, CHUNK), jnp.int32),
      pltpu.VMEM((kc, CHUNK), jnp.int32),
      pltpu.VMEM((CHUNK, F), jnp.float32),
      pltpu.VMEM((KR, F), jnp.float32),
      pltpu.VMEM_SHARED((n_pad, F), jnp.float32),
  ]

  def body(p_hbm, srcg_hbm, dstg_hbm, zf_hbm,
           out_hbm, cnt_hbm, src_v, dst_v, rows_v, cnt_v, acc_sh):
    c = lax.axis_index("c")
    s = lax.axis_index("s")
    my_rows = pl.ds(s * zrows, zrows)

    pltpu.sync_copy(zf_hbm.at[my_rows], acc_sh.at[my_rows])
    pltpu.sync_copy(zf_hbm.at[pl.ds(0, KR)], cnt_v)

    pltpu.sync_copy(srcg_hbm.at[c, s], src_v)
    pltpu.sync_copy(dstg_hbm.at[c, s], dst_v)
    plsc.subcore_barrier()

    ones16 = jnp.ones((16,), jnp.float32)

    @pl.loop(0, kc)
    def _(j):
      pltpu.sync_copy(p_hbm.at[src_v.at[j]], rows_v)
      pltpu.sync_copy(rows_v, acc_sh.at[dst_v.at[j]], add=True)
      @pl.loop(0, CHUNK // 16)
      def _(q):
        d = dst_v[j, pl.ds(q * 16, 16)]
        plsc.addupdate_scatter(
            cnt_v, [lax.shift_right_logical(d, 7),
                    lax.bitwise_and(d, 127)], ones16)

    plsc.subcore_barrier()
    pltpu.sync_copy(acc_sh.at[my_rows], out_hbm.at[c, my_rows])
    pltpu.sync_copy(cnt_v, cnt_hbm.at[c, s])

  cp = pltpu.CompilerParams()
  if "needs_layout_passes" in pltpu.CompilerParams.__dataclass_fields__:
    cp = dataclasses.replace(cp, needs_layout_passes=False)
  return pl.kernel(body, out_type=out_type, mesh=mesh, scratch_types=scratch,
                   compiler_params=cp)



def _k_first(x_ref, wl_ref, wr_ref, b_ref, p_ref, hr_ref):
  x = x_ref[...]
  p_ref[...] = jnp.dot(x, wl_ref[...], preferred_element_type=jnp.float32)
  hr_ref[...] = (jnp.dot(x, wr_ref[...], preferred_element_type=jnp.float32)
                 + b_ref[...])


def _mean_plus_self(a_ref, cnt_ref, hr_ref):
  m, f = hr_ref.shape
  cnt = cnt_ref[...]
  denom = lax.dot_general(
      cnt, jnp.ones((cnt.shape[0], 1), jnp.float32),
      (((0,), (0,)), ((), ())),
      preferred_element_type=jnp.float32)
  denom = jnp.maximum(denom[:m], 1.0)
  agg = a_ref[0, :m, :f] + a_ref[1, :m, :f]
  return agg / denom + hr_ref[...]


def _bn_relu(z, g_ref, be_ref):
  mu = jnp.mean(z, axis=0, keepdims=True)
  var = jnp.mean((z - mu) ** 2, axis=0, keepdims=True)
  h = g_ref[...] * (z - mu) / jnp.sqrt(var + 1e-5) + be_ref[...]
  return jnp.maximum(h, 0.0)


def _post_pre_body(a_ref, cnt_ref, hr_ref, g_ref, be_ref,
                   wl_ref, wr_ref, b_ref, p_ref, hr2_ref):
  h = _bn_relu(_mean_plus_self(a_ref, cnt_ref, hr_ref), g_ref, be_ref)
  p_ref[...] = jnp.dot(h, wl_ref[...], preferred_element_type=jnp.float32)
  hr2_ref[...] = (jnp.dot(h, wr_ref[...], preferred_element_type=jnp.float32)
                  + b_ref[...])


def _k_last(a_ref, cnt_ref, hr_ref, g_ref, be_ref, wc_ref, bc_ref, o_ref):
  h = _bn_relu(_mean_plus_self(a_ref, cnt_ref, hr_ref), g_ref, be_ref)
  o_ref[...] = (jnp.dot(h, wc_ref[...], preferred_element_type=jnp.float32)
                + bc_ref[...])


def _f32(shape):
  return jax.ShapeDtypeStruct(shape, jnp.float32)



def kernel(x, edge_index, W1l, W1r, b1, g1, be1, W2l, W2r, b2, g2, be2,
           W3l, W3r, b3, g3, be3, Wc, bc):
  n, d_in = x.shape
  e = edge_index.shape[1]
  h1 = W1l.shape[1]
  h2 = W3l.shape[1]
  c_out = Wc.shape[1]

  n_pad = (n // F + 1) * F
  kc = -(-e // (NC * NS * CHUNK))

  e_pad = NC * NS * kc * CHUNK

  src = edge_index[0]
  dst = edge_index[1]
  pad = e_pad - e
  src_g = jnp.concatenate(
      [src, jnp.zeros((pad,), jnp.int32)]).reshape(NC, NS, kc, CHUNK)
  dst_g = jnp.concatenate(
      [dst, jnp.full((pad,), n, jnp.int32)]).reshape(NC, NS, kc, CHUNK)

  zf = jnp.zeros((n_pad, F), jnp.float32)

  b1r, b2r, b3r, bcr = (v.reshape(1, -1) for v in (b1, b2, b3, bc))
  g1r, g2r, g3r = (v.reshape(1, -1) for v in (g1, g2, g3))
  be1r, be2r, be3r = (v.reshape(1, -1) for v in (be1, be2, be3))

  W3lp = jnp.concatenate([W3l, jnp.zeros((h1, F - h2), jnp.float32)], axis=1)

  agg = _make_sc_agg(n, n_pad, kc)

  def flat(cnt):
    return cnt.reshape(NC * NS, cnt.shape[2] * F)

  p1, hr1 = pl.pallas_call(
      _k_first, out_shape=[_f32((n, F)), _f32((n, h1))])(x, W1l, W1r, b1r)
  a1, cnt1 = agg(p1, src_g, dst_g, zf)

  p2, hr2 = pl.pallas_call(
      _post_pre_body, out_shape=[_f32((n, F)), _f32((n, h1))])(
          a1, flat(cnt1), hr1, g1r, be1r, W2l, W2r, b2r)
  a2, cnt2 = agg(p2, src_g, dst_g, zf)

  p3, hr3 = pl.pallas_call(
      _post_pre_body, out_shape=[_f32((n, F)), _f32((n, h2))])(
          a2, flat(cnt2), hr2, g2r, be2r, W3lp, W3r, b3r)
  a3, cnt3 = agg(p3, src_g, dst_g, zf)

  out = pl.pallas_call(
      _k_last, out_shape=_f32((n, c_out)))(
          a3, flat(cnt3), hr3, g3r, be3r, Wc, bcr)
  return out

# --- scband reference (transcript-rebuilt; emitter-appended) ---
"""Pipeline reference for scband-graph-sageids-55980603736252 (READ-ONLY COPY).

The authoritative reference and input builder live on the scoring server;
editing this copy changes nothing except your own understanding.
"""

import jax, jax.numpy as jnp
import numpy as np

N = 10000
E = 320000
D_IN = 128
H = 128
H2 = 64
C = 10


def setup_inputs(seed: int = 0):
    key = jax.random.key(seed)
    ks = jax.random.split(key, 12)
    inp = {}
    inp['x'] = jax.random.normal(ks[0], (N, D_IN), dtype=jnp.float32)
    inp['edge_index'] = jax.random.randint(ks[1], (2, E), 0, N, dtype=jnp.int32)
    inp['W1l'] = jax.random.normal(ks[2], (D_IN, H), dtype=jnp.float32) / np.sqrt(D_IN)
    inp['W1r'] = jax.random.normal(ks[3], (D_IN, H), dtype=jnp.float32) / np.sqrt(D_IN)
    inp['b1'] = jnp.zeros((H,), dtype=jnp.float32)
    inp['g1'] = jnp.ones((H,), dtype=jnp.float32)
    inp['be1'] = jnp.zeros((H,), dtype=jnp.float32)
    inp['W2l'] = jax.random.normal(ks[4], (H, H), dtype=jnp.float32) / np.sqrt(H)
    inp['W2r'] = jax.random.normal(ks[5], (H, H), dtype=jnp.float32) / np.sqrt(H)
    inp['b2'] = jnp.zeros((H,), dtype=jnp.float32)
    inp['g2'] = jnp.ones((H,), dtype=jnp.float32)
    inp['be2'] = jnp.zeros((H,), dtype=jnp.float32)
    inp['W3l'] = jax.random.normal(ks[6], (H, H2), dtype=jnp.float32) / np.sqrt(H)
    inp['W3r'] = jax.random.normal(ks[7], (H, H2), dtype=jnp.float32) / np.sqrt(H)
    inp['b3'] = jnp.zeros((H2,), dtype=jnp.float32)
    inp['g3'] = jnp.ones((H2,), dtype=jnp.float32)
    inp['be3'] = jnp.zeros((H2,), dtype=jnp.float32)
    inp['Wc'] = jax.random.normal(ks[8], (H2, C), dtype=jnp.float32) / np.sqrt(H2)
    inp['bc'] = jnp.zeros((C,), dtype=jnp.float32)
    return inp


def _batch_norm(h, g, b):
    mu = jnp.mean(h, axis=0)
    var = jnp.var(h, axis=0)
    return g * (h - mu) / jnp.sqrt(var + 1e-5) + b


def _sage_conv(h, src, dst, Wl, Wr, b):
    msgs = h[src]
    agg = jax.ops.segment_sum(msgs, dst, num_segments=N)
    cnt = jax.ops.segment_sum(jnp.ones((src.shape[0],), dtype=h.dtype), dst, num_segments=N)
    mean = agg / jnp.clip(cnt, 1.0)[:, None]
    return mean @ Wl + h @ Wr + b


def reference(x, edge_index, W1l, W1r, b1, g1, be1, W2l, W2r, b2, g2, be2, W3l, W3r, b3, g3, be3, Wc, bc):
    src = edge_index[0]
    dst = edge_index[1]
    h = jax.nn.relu(_batch_norm(_sage_conv(x, src, dst, W1l, W1r, b1), g1, be1))
    h = jax.nn.relu(_batch_norm(_sage_conv(h, src, dst, W2l, W2r, b2), g2, be2))
    h = jax.nn.relu(_batch_norm(_sage_conv(h, src, dst, W3l, W3r, b3), g3, be3))
    return h @ Wc + bc

if __name__ == "__main__":
    import jax
    _d = setup_inputs()
    print(jax.jit(kernel)(*tuple(_d.values())))

</pallas_src>

<mosaic_0001>
#map = affine_map<(d0, d1) -> (0, 0)>
#map1 = affine_map<(d0, d1) -> (0, 0, 0, 0)>
#map2 = affine_map<(d0, d1) -> (0, 0, 0)>
module attributes {stable_mosaic.version = 14 : i64} {
  func.func @body(%arg0: i32, %arg1: i32, %arg2: memref<10000x128xf32, #tpu.memory_space<hbm>>, %arg3: memref<2x16x79x128xi32, #tpu.memory_space<hbm>>, %arg4: memref<2x16x79x128xi32, #tpu.memory_space<hbm>>, %arg5: memref<10112x128xf32, #tpu.memory_space<hbm>>, %arg6: memref<2x10112x128xf32, #tpu.memory_space<hbm>>, %arg7: memref<2x16x80x128xf32, #tpu.memory_space<hbm>>, %arg8: memref<79x128xi32, #tpu.memory_space<vmem>>, %arg9: memref<79x128xi32, #tpu.memory_space<vmem>>, %arg10: memref<128x128xf32, #tpu.memory_space<vmem>>, %arg11: memref<80x128xf32, #tpu.memory_space<vmem>>, %arg12: memref<10112x128xf32, #tpu.memory_space<vmem_shared>>) attributes {dimension_semantics = [#tpu.dimension_semantics<core_parallel>, #tpu.dimension_semantics<subcore_parallel>], iteration_bounds = array<i64: 2, 16>, scalar_prefetch = 0 : i64, scratch_operands = 5 : i64, tpu.core_type = #tpu.core_type<sc_vector_subcore>, window_params = [{transform_indices = #map}, {transform_indices = #map1}, {transform_indices = #map1}, {transform_indices = #map}, {transform_indices = #map2}, {transform_indices = #map1}]} {
    %mul3A = arith.constant 632 : i32
    %mul3A_0 = arith.muli %arg1, %mul3A : i32
    "tpu.region"() ({
      %run_scoped3A = tpu.sem_alloc : memref<!tpu.dma_semaphore, #tpu.memory_space<semaphore_mem>>
      %dma_start3A = arith.constant 0 : i32
      %dma_start3A_7 = tpu.memref_slice %arg12[%mul3A_0, %dma_start3A] : memref<10112x128xf32, #tpu.memory_space<vmem_shared>> -> memref<632x128xf32, #tpu.memory_space<vmem_shared>>
      %dma_start3A_8 = arith.constant 0 : i32
      %dma_start3A_9 = tpu.memref_slice %arg5[%mul3A_0, %dma_start3A_8] : memref<10112x128xf32, #tpu.memory_space<hbm>> -> memref<632x128xf32, #tpu.memory_space<hbm>>
      tpu.enqueue_dma source(%dma_start3A_9 : memref<632x128xf32, #tpu.memory_space<hbm>>) target(%dma_start3A_7 : memref<632x128xf32, #tpu.memory_space<vmem_shared>>) target_semaphore(%run_scoped3A : memref<!tpu.dma_semaphore, #tpu.memory_space<semaphore_mem>>)
      %dma_wait3A = arith.constant 0 : i32
      %dma_wait3A_10 = tpu.memref_slice %arg12[%mul3A_0, %dma_wait3A] : memref<10112x128xf32, #tpu.memory_space<vmem_shared>> -> memref<632x128xf32, #tpu.memory_space<vmem_shared>>
      %dma_wait3A_11 = arith.constant 0 : i32
      %dma_wait3A_12 = tpu.memref_slice %arg5[%mul3A_0, %dma_wait3A_11] : memref<10112x128xf32, #tpu.memory_space<hbm>> -> memref<632x128xf32, #tpu.memory_space<hbm>>
      tpu.wait_dma2 semaphore(%run_scoped3A : memref<!tpu.dma_semaphore, #tpu.memory_space<semaphore_mem>>) src(%dma_wait3A_12 : memref<632x128xf32, #tpu.memory_space<hbm>>) dst(%dma_wait3A_10 : memref<632x128xf32, #tpu.memory_space<vmem_shared>>)
      tpu.yield
    }) : () -> ()
    "tpu.region"() ({
      %run_scoped3A = tpu.sem_alloc : memref<!tpu.dma_semaphore, #tpu.memory_space<semaphore_mem>>
      %dma_start3A = arith.constant 0 : i32
      %dma_start3A_7 = arith.constant 0 : i32
      %dma_start3A_8 = tpu.memref_slice %arg5[%dma_start3A, %dma_start3A_7] : memref<10112x128xf32, #tpu.memory_space<hbm>> -> memref<80x128xf32, #tpu.memory_space<hbm>>
      %dma_start3A_9 = arith.constant 0 : i32
      %dma_start3A_10 = arith.constant 0 : i32
      %dma_start3A_11 = tpu.memref_slice %arg5[%dma_start3A_9, %dma_start3A_10] : memref<10112x128xf32, #tpu.memory_space<hbm>> -> memref<80x128xf32, #tpu.memory_space<hbm>>
      tpu.enqueue_dma source(%dma_start3A_11 : memref<80x128xf32, #tpu.memory_space<hbm>>) target(%arg11 : memref<80x128xf32, #tpu.memory_space<vmem>>) target_semaphore(%run_scoped3A : memref<!tpu.dma_semaphore, #tpu.memory_space<semaphore_mem>>)
      %dma_wait3A = arith.constant 0 : i32
      %dma_wait3A_12 = arith.constant 0 : i32
      %dma_wait3A_13 = tpu.memref_slice %arg5[%dma_wait3A, %dma_wait3A_12] : memref<10112x128xf32, #tpu.memory_space<hbm>> -> memref<80x128xf32, #tpu.memory_space<hbm>>
      %dma_wait3A_14 = arith.constant 0 : i32
      %dma_wait3A_15 = arith.constant 0 : i32
      %dma_wait3A_16 = tpu.memref_slice %arg5[%dma_wait3A_14, %dma_wait3A_15] : memref<10112x128xf32, #tpu.memory_space<hbm>> -> memref<80x128xf32, #tpu.memory_space<hbm>>
      tpu.wait_dma2 semaphore(%run_scoped3A : memref<!tpu.dma_semaphore, #tpu.memory_space<semaphore_mem>>) src(%dma_wait3A_16 : memref<80x128xf32, #tpu.memory_space<hbm>>) dst(%arg11 : memref<80x128xf32, #tpu.memory_space<vmem>>)
      tpu.yield
    }) : () -> ()
    "tpu.region"() ({
      %run_scoped3A = tpu.sem_alloc : memref<!tpu.dma_semaphore, #tpu.memory_space<semaphore_mem>>
      %dma_start3A = arith.constant 0 : i32
      %dma_start3A_7 = arith.constant 0 : i32
      %dma_start3A_8 = tpu.memref_slice %arg3[%arg0, %arg1, %dma_start3A, %dma_start3A_7] : memref<2x16x79x128xi32, #tpu.memory_space<hbm>> -> memref<1x1x79x128xi32, #tpu.memory_space<hbm>>
      %dma_start3A_9 = tpu.memref_squeeze %dma_start3A_8 : memref<1x1x79x128xi32, #tpu.memory_space<hbm>> -> memref<79x128xi32, #tpu.memory_space<hbm>>
      %dma_start3A_10 = arith.constant 0 : i32
      %dma_start3A_11 = arith.constant 0 : i32
      %dma_start3A_12 = tpu.memref_slice %arg3[%arg0, %arg1, %dma_start3A_10, %dma_start3A_11] : memref<2x16x79x128xi32, #tpu.memory_space<hbm>> -> memref<1x1x79x128xi32, #tpu.memory_space<hbm>>
      %dma_start3A_13 = tpu.memref_squeeze %dma_start3A_12 : memref<1x1x79x128xi32, #tpu.memory_space<hbm>> -> memref<79x128xi32, #tpu.memory_space<hbm>>
      tpu.enqueue_dma source(%dma_start3A_13 : memref<79x128xi32, #tpu.memory_space<hbm>>) target(%arg8 : memref<79x128xi32, #tpu.memory_space<vmem>>) target_semaphore(%run_scoped3A : memref<!tpu.dma_semaphore, #tpu.memory_space<semaphore_mem>>)
      %dma_wait3A = arith.constant 0 : i32
      %dma_wait3A_14 = arith.constant 0 : i32
      %dma_wait3A_15 = tpu.memref_slice %arg3[%arg0, %arg1, %dma_wait3A, %dma_wait3A_14] : memref<2x16x79x128xi32, #tpu.memory_space<hbm>> -> memref<1x1x79x128xi32, #tpu.memory_space<hbm>>
      %dma_wait3A_16 = tpu.memref_squeeze %dma_wait3A_15 : memref<1x1x79x128xi32, #tpu.memory_space<hbm>> -> memref<79x128xi32, #tpu.memory_space<hbm>>
      %dma_wait3A_17 = arith.constant 0 : i32
      %dma_wait3A_18 = arith.constant 0 : i32
      %dma_wait3A_19 = tpu.memref_slice %arg3[%arg0, %arg1, %dma_wait3A_17, %dma_wait3A_18] : memref<2x16x79x128xi32, #tpu.memory_space<hbm>> -> memref<1x1x79x128xi32, #tpu.memory_space<hbm>>
      %dma_wait3A_20 = tpu.memref_squeeze %dma_wait3A_19 : memref<1x1x79x128xi32, #tpu.memory_space<hbm>> -> memref<79x128xi32, #tpu.memory_space<hbm>>
      tpu.wait_dma2 semaphore(%run_scoped3A : memref<!tpu.dma_semaphore, #tpu.memory_space<semaphore_mem>>) src(%dma_wait3A_20 : memref<79x128xi32, #tpu.memory_space<hbm>>) dst(%arg8 : memref<79x128xi32, #tpu.memory_space<vmem>>)
      tpu.yield
    }) : () -> ()
    "tpu.region"() ({
      %run_scoped3A = tpu.sem_alloc : memref<!tpu.dma_semaphore, #tpu.memory_space<semaphore_mem>>
      %dma_start3A = arith.constant 0 : i32
      %dma_start3A_7 = arith.constant 0 : i32
      %dma_start3A_8 = tpu.memref_slice %arg4[%arg0, %arg1, %dma_start3A, %dma_start3A_7] : memref<2x16x79x128xi32, #tpu.memory_space<hbm>> -> memref<1x1x79x128xi32, #tpu.memory_space<hbm>>
      %dma_start3A_9 = tpu.memref_squeeze %dma_start3A_8 : memref<1x1x79x128xi32, #tpu.memory_space<hbm>> -> memref<79x128xi32, #tpu.memory_space<hbm>>
      %dma_start3A_10 = arith.constant 0 : i32
      %dma_start3A_11 = arith.constant 0 : i32
      %dma_start3A_12 = tpu.memref_slice %arg4[%arg0, %arg1, %dma_start3A_10, %dma_start3A_11] : memref<2x16x79x128xi32, #tpu.memory_space<hbm>> -> memref<1x1x79x128xi32, #tpu.memory_space<hbm>>
      %dma_start3A_13 = tpu.memref_squeeze %dma_start3A_12 : memref<1x1x79x128xi32, #tpu.memory_space<hbm>> -> memref<79x128xi32, #tpu.memory_space<hbm>>
      tpu.enqueue_dma source(%dma_start3A_13 : memref<79x128xi32, #tpu.memory_space<hbm>>) target(%arg9 : memref<79x128xi32, #tpu.memory_space<vmem>>) target_semaphore(%run_scoped3A : memref<!tpu.dma_semaphore, #tpu.memory_space<semaphore_mem>>)
      %dma_wait3A = arith.constant 0 : i32
      %dma_wait3A_14 = arith.constant 0 : i32
      %dma_wait3A_15 = tpu.memref_slice %arg4[%arg0, %arg1, %dma_wait3A, %dma_wait3A_14] : memref<2x16x79x128xi32, #tpu.memory_space<hbm>> -> memref<1x1x79x128xi32, #tpu.memory_space<hbm>>
      %dma_wait3A_16 = tpu.memref_squeeze %dma_wait3A_15 : memref<1x1x79x128xi32, #tpu.memory_space<hbm>> -> memref<79x128xi32, #tpu.memory_space<hbm>>
      %dma_wait3A_17 = arith.constant 0 : i32
      %dma_wait3A_18 = arith.constant 0 : i32
      %dma_wait3A_19 = tpu.memref_slice %arg4[%arg0, %arg1, %dma_wait3A_17, %dma_wait3A_18] : memref<2x16x79x128xi32, #tpu.memory_space<hbm>> -> memref<1x1x79x128xi32, #tpu.memory_space<hbm>>
      %dma_wait3A_20 = tpu.memref_squeeze %dma_wait3A_19 : memref<1x1x79x128xi32, #tpu.memory_space<hbm>> -> memref<79x128xi32, #tpu.memory_space<hbm>>
      tpu.wait_dma2 semaphore(%run_scoped3A : memref<!tpu.dma_semaphore, #tpu.memory_space<semaphore_mem>>) src(%dma_wait3A_20 : memref<79x128xi32, #tpu.memory_space<hbm>>) dst(%arg9 : memref<79x128xi32, #tpu.memory_space<vmem>>)
      tpu.yield
    }) : () -> ()
    %barrier3A = arith.constant 0 : index
    tpu.barrier barrier_id(%barrier3A)
    %broadcast_in_dim3A = arith.constant 1.000000e+00 : f32
    %broadcast_in_dim3A_1 = vector.broadcast %broadcast_in_dim3A : f32 to vector<16xf32>
    %scan3A = arith.constant 0 : i32
    %scan3A_2 = arith.constant 79 : i32
    %scan3A_3 = arith.addi %scan3A, %scan3A_2 : i32
    %scan3A_4 = arith.constant 1 : i32
    scf.for %scan3A_7 = %scan3A to %scan3A_3 step %scan3A_4  : i32 {
      %mul3A_8 = arith.constant 1 : i32
      %mul3A_9 = arith.muli %scan3A_7, %mul3A_8 : i32
      %add3A = arith.constant 0 : i32
      %add3A_10 = arith.addi %add3A, %mul3A_9 : i32
      "tpu.region"() ({
        %run_scoped3A = tpu.sem_alloc : memref<!tpu.dma_semaphore, #tpu.memory_space<semaphore_mem>>
        %dma_start3A = arith.constant 0 : i32
        %dma_start3A_16 = tpu.memref_slice %arg8[%add3A_10, %dma_start3A] : memref<79x128xi32, #tpu.memory_space<vmem>> -> memref<1x128xi32, #tpu.memory_space<vmem>>
        %dma_start3A_17 = tpu.memref_squeeze %dma_start3A_16 : memref<1x128xi32, #tpu.memory_space<vmem>> -> memref<128xi32, #tpu.memory_space<vmem>>
        %dma_start3A_18 = arith.constant 0 : i32
        %dma_start3A_19 = arith.constant 0 : i32
        %dma_start3A_20 = tpu.memref_slice %arg2[%dma_start3A_18, %dma_start3A_19] : memref<10000x128xf32, #tpu.memory_space<hbm>> -> memref<10000x128xf32, #tpu.memory_space<hbm>>
        tpu.enqueue_indirect_dma source(%dma_start3A_20 : memref<10000x128xf32, #tpu.memory_space<hbm>>) target(%arg10 : memref<128x128xf32, #tpu.memory_space<vmem>>) offsets(%dma_start3A_17 : memref<128xi32, #tpu.memory_space<vmem>>) semaphore(%run_scoped3A : memref<!tpu.dma_semaphore, #tpu.memory_space<semaphore_mem>>)
        %dma_wait3A = arith.constant 0 : i32
        %dma_wait3A_21 = tpu.memref_slice %arg8[%add3A_10, %dma_wait3A] : memref<79x128xi32, #tpu.memory_space<vmem>> -> memref<1x128xi32, #tpu.memory_space<vmem>>
        %dma_wait3A_22 = tpu.memref_squeeze %dma_wait3A_21 : memref<1x128xi32, #tpu.memory_space<vmem>> -> memref<128xi32, #tpu.memory_space<vmem>>
        %dma_wait3A_23 = arith.constant 0 : i32
        %dma_wait3A_24 = arith.constant 0 : i32
        %dma_wait3A_25 = tpu.memref_slice %arg2[%dma_wait3A_23, %dma_wait3A_24] : memref<10000x128xf32, #tpu.memory_space<hbm>> -> memref<10000x128xf32, #tpu.memory_space<hbm>>
        tpu.wait_indirect_dma semaphore(%run_scoped3A : memref<!tpu.dma_semaphore, #tpu.memory_space<semaphore_mem>>) src(%dma_wait3A_25 : memref<10000x128xf32, #tpu.memory_space<hbm>>) dst(%arg10 : memref<128x128xf32, #tpu.memory_space<vmem>>)
        tpu.yield
      }) : () -> ()
      "tpu.region"() ({
        %run_scoped3A = tpu.sem_alloc : memref<!tpu.dma_semaphore, #tpu.memory_space<semaphore_mem>>
        %dma_start3A = arith.constant 0 : i32
        %dma_start3A_16 = tpu.memref_slice %arg9[%add3A_10, %dma_start3A] : memref<79x128xi32, #tpu.memory_space<vmem>> -> memref<1x128xi32, #tpu.memory_space<vmem>>
        %dma_start3A_17 = tpu.memref_squeeze %dma_start3A_16 : memref<1x128xi32, #tpu.memory_space<vmem>> -> memref<128xi32, #tpu.memory_space<vmem>>
        %dma_start3A_18 = arith.constant 0 : i32
        %dma_start3A_19 = arith.constant 0 : i32
        %dma_start3A_20 = tpu.memref_slice %arg12[%dma_start3A_18, %dma_start3A_19] : memref<10112x128xf32, #tpu.memory_space<vmem_shared>> -> memref<10112x128xf32, #tpu.memory_space<vmem_shared>>
        tpu.enqueue_indirect_dma source(%arg10 : memref<128x128xf32, #tpu.memory_space<vmem>>) target(%dma_start3A_20 : memref<10112x128xf32, #tpu.memory_space<vmem_shared>>) offsets(%dma_start3A_17 : memref<128xi32, #tpu.memory_space<vmem>>) semaphore(%run_scoped3A : memref<!tpu.dma_semaphore, #tpu.memory_space<semaphore_mem>>) {add = true}
        %dma_wait3A = arith.constant 0 : i32
        %dma_wait3A_21 = tpu.memref_slice %arg9[%add3A_10, %dma_wait3A] : memref<79x128xi32, #tpu.memory_space<vmem>> -> memref<1x128xi32, #tpu.memory_space<vmem>>
        %dma_wait3A_22 = tpu.memref_squeeze %dma_wait3A_21 : memref<1x128xi32, #tpu.memory_space<vmem>> -> memref<128xi32, #tpu.memory_space<vmem>>
        %dma_wait3A_23 = arith.constant 0 : i32
        %dma_wait3A_24 = arith.constant 0 : i32
        %dma_wait3A_25 = tpu.memref_slice %arg12[%dma_wait3A_23, %dma_wait3A_24] : memref<10112x128xf32, #tpu.memory_space<vmem_shared>> -> memref<10112x128xf32, #tpu.memory_space<vmem_shared>>
        tpu.wait_indirect_dma semaphore(%run_scoped3A : memref<!tpu.dma_semaphore, #tpu.memory_space<semaphore_mem>>) src(%arg10 : memref<128x128xf32, #tpu.memory_space<vmem>>) dst(%dma_wait3A_25 : memref<10112x128xf32, #tpu.memory_space<vmem_shared>>)
        tpu.yield
      }) : () -> ()
      %scan3A_11 = arith.constant 0 : i32
      %scan3A_12 = arith.constant 8 : i32
      %scan3A_13 = arith.addi %scan3A_11, %scan3A_12 : i32
      %scan3A_14 = arith.constant 1 : i32
      scf.for %scan3A_16 = %scan3A_11 to %scan3A_13 step %scan3A_14  : i32 {
        %mul3A_17 = arith.constant 1 : i32
        %mul3A_18 = arith.muli %scan3A_16, %mul3A_17 : i32
        %add3A_19 = arith.constant 0 : i32
        %add3A_20 = arith.addi %add3A_19, %mul3A_18 : i32
        %mul3A_21 = arith.constant 16 : i32
        %mul3A_22 = arith.muli %add3A_20, %mul3A_21 : i32
        %get3A = arith.index_cast %add3A_10 : i32 to index
        %get3A_23 = arith.index_cast %mul3A_22 : i32 to index
        %get3A_24 = tpu.vector_load %arg9[%get3A, %get3A_23] {strides = array<i32>} : memref<79x128xi32, #tpu.memory_space<vmem>>, vector<16xi32>,
        %shift_right_logical3A = arith.constant 7 : i32
        %shift_right_logical3A_25 = vector.broadcast %shift_right_logical3A : i32 to vector<16xi32>
        %shift_right_logical3A_26 = arith.shrui %get3A_24, %shift_right_logical3A_25 : vector<16xi32>
        %and3A = arith.constant 127 : i32
        %and3A_27 = vector.broadcast %and3A : i32 to vector<16xi32>
        %and3A_28 = arith.andi %get3A_24, %and3A_27 : vector<16xi32>
        tpu.vector_store_idx %arg11[%shift_right_logical3A_26, %and3A_28], %broadcast_in_dim3A_1 {add = true} : memref<80x128xf32, #tpu.memory_space<vmem>>[vector<16xi32>, vector<16xi32>], vector<16xf32>,
      }
      %scan3A_15 = arith.constant 8 : i32
    }
    %scan3A_5 = arith.constant 79 : i32
    %barrier3A_6 = arith.constant 0 : index
    tpu.barrier barrier_id(%barrier3A_6)
    "tpu.region"() ({
      %run_scoped3A = tpu.sem_alloc : memref<!tpu.dma_semaphore, #tpu.memory_space<semaphore_mem>>
      %dma_start3A = arith.constant 0 : i32
      %dma_start3A_7 = tpu.memref_slice %arg6[%arg0, %mul3A_0, %dma_start3A] : memref<2x10112x128xf32, #tpu.memory_space<hbm>> -> memref<1x632x128xf32, #tpu.memory_space<hbm>>
      %dma_start3A_8 = tpu.memref_squeeze %dma_start3A_7 : memref<1x632x128xf32, #tpu.memory_space<hbm>> -> memref<632x128xf32, #tpu.memory_space<hbm>>
      %dma_start3A_9 = arith.constant 0 : i32
      %dma_start3A_10 = tpu.memref_slice %arg12[%mul3A_0, %dma_start3A_9] : memref<10112x128xf32, #tpu.memory_space<vmem_shared>> -> memref<632x128xf32, #tpu.memory_space<vmem_shared>>
      tpu.enqueue_dma source(%dma_start3A_10 : memref<632x128xf32, #tpu.memory_space<vmem_shared>>) target(%dma_start3A_8 : memref<632x128xf32, #tpu.memory_space<hbm>>) target_semaphore(%run_scoped3A : memref<!tpu.dma_semaphore, #tpu.memory_space<semaphore_mem>>)
      %dma_wait3A = arith.constant 0 : i32
      %dma_wait3A_11 = tpu.memref_slice %arg6[%arg0, %mul3A_0, %dma_wait3A] : memref<2x10112x128xf32, #tpu.memory_space<hbm>> -> memref<1x632x128xf32, #tpu.memory_space<hbm>>
      %dma_wait3A_12 = tpu.memref_squeeze %dma_wait3A_11 : memref<1x632x128xf32, #tpu.memory_space<hbm>> -> memref<632x128xf32, #tpu.memory_space<hbm>>
      %dma_wait3A_13 = arith.constant 0 : i32
      %dma_wait3A_14 = tpu.memref_slice %arg12[%mul3A_0, %dma_wait3A_13] : memref<10112x128xf32, #tpu.memory_space<vmem_shared>> -> memref<632x128xf32, #tpu.memory_space<vmem_shared>>
      tpu.wait_dma2 semaphore(%run_scoped3A : memref<!tpu.dma_semaphore, #tpu.memory_space<semaphore_mem>>) src(%dma_wait3A_14 : memref<632x128xf32, #tpu.memory_space<vmem_shared>>) dst(%dma_wait3A_12 : memref<632x128xf32, #tpu.memory_space<hbm>>)
      tpu.yield
    }) : () -> ()
    "tpu.region"() ({
      %run_scoped3A = tpu.sem_alloc : memref<!tpu.dma_semaphore, #tpu.memory_space<semaphore_mem>>
      %dma_start3A = arith.constant 0 : i32
      %dma_start3A_7 = arith.constant 0 : i32
      %dma_start3A_8 = tpu.memref_slice %arg7[%arg0, %arg1, %dma_start3A, %dma_start3A_7] : memref<2x16x80x128xf32, #tpu.memory_space<hbm>> -> memref<1x1x80x128xf32, #tpu.memory_space<hbm>>
      %dma_start3A_9 = tpu.memref_squeeze %dma_start3A_8 : memref<1x1x80x128xf32, #tpu.memory_space<hbm>> -> memref<80x128xf32, #tpu.memory_space<hbm>>
      %dma_start3A_10 = arith.constant 0 : i32
      %dma_start3A_11 = arith.constant 0 : i32
      %dma_start3A_12 = tpu.memref_slice %arg7[%arg0, %arg1, %dma_start3A_10, %dma_start3A_11] : memref<2x16x80x128xf32, #tpu.memory_space<hbm>> -> memref<1x1x80x128xf32, #tpu.memory_space<hbm>>
      %dma_start3A_13 = tpu.memref_squeeze %dma_start3A_12 : memref<1x1x80x128xf32, #tpu.memory_space<hbm>> -> memref<80x128xf32, #tpu.memory_space<hbm>>
      tpu.enqueue_dma source(%arg11 : memref<80x128xf32, #tpu.memory_space<vmem>>) target(%dma_start3A_13 : memref<80x128xf32, #tpu.memory_space<hbm>>) target_semaphore(%run_scoped3A : memref<!tpu.dma_semaphore, #tpu.memory_space<semaphore_mem>>)
      %dma_wait3A = arith.constant 0 : i32
      %dma_wait3A_14 = arith.constant 0 : i32
      %dma_wait3A_15 = tpu.memref_slice %arg7[%arg0, %arg1, %dma_wait3A, %dma_wait3A_14] : memref<2x16x80x128xf32, #tpu.memory_space<hbm>> -> memref<1x1x80x128xf32, #tpu.memory_space<hbm>>
      %dma_wait3A_16 = tpu.memref_squeeze %dma_wait3A_15 : memref<1x1x80x128xf32, #tpu.memory_space<hbm>> -> memref<80x128xf32, #tpu.memory_space<hbm>>
      %dma_wait3A_17 = arith.constant 0 : i32
      %dma_wait3A_18 = arith.constant 0 : i32
      %dma_wait3A_19 = tpu.memref_slice %arg7[%arg0, %arg1, %dma_wait3A_17, %dma_wait3A_18] : memref<2x16x80x128xf32, #tpu.memory_space<hbm>> -> memref<1x1x80x128xf32, #tpu.memory_space<hbm>>
      %dma_wait3A_20 = tpu.memref_squeeze %dma_wait3A_19 : memref<1x1x80x128xf32, #tpu.memory_space<hbm>> -> memref<80x128xf32, #tpu.memory_space<hbm>>
      tpu.wait_dma2 semaphore(%run_scoped3A : memref<!tpu.dma_semaphore, #tpu.memory_space<semaphore_mem>>) src(%arg11 : memref<80x128xf32, #tpu.memory_space<vmem>>) dst(%dma_wait3A_20 : memref<80x128xf32, #tpu.memory_space<hbm>>)
      tpu.yield
    }) : () -> ()
    return
  }
}

#map = affine_map<(d0, d1) -> (0, 0)>
#map1 = affine_map<(d0, d1) -> (0, 0, 0, 0)>
#map2 = affine_map<(d0, d1) -> (0, 0, 0)>
module attributes {stable_mosaic.version = 14 : i64} {
  func.func @body(%arg0: i32, %arg1: i32, %arg2: memref<10000x128xf32, #tpu.memory_space<hbm>>, %arg3: memref<2x16x79x128xi32, #tpu.memory_space<hbm>>, %arg4: memref<2x16x79x128xi32, #tpu.memory_space<hbm>>, %arg5: memref<10112x128xf32, #tpu.memory_space<hbm>>, %arg6: memref<2x10112x128xf32, #tpu.memory_space<hbm>>, %arg7: memref<2x16x80x128xf32, #tpu.memory_space<hbm>>, %arg8: memref<79x128xi32, #tpu.memory_space<vmem>>, %arg9: memref<79x128xi32, #tpu.memory_space<vmem>>, %arg10: memref<128x128xf32, #tpu.memory_space<vmem>>, %arg11: memref<80x128xf32, #tpu.memory_space<vmem>>, %arg12: memref<10112x128xf32, #tpu.memory_space<vmem_shared>>) attributes {dimension_semantics = [#tpu.dimension_semantics<core_parallel>, #tpu.dimension_semantics<subcore_parallel>], iteration_bounds = array<i64: 2, 16>, scalar_prefetch = 0 : i64, scratch_operands = 5 : i64, tpu.core_type = #tpu.core_type<sc_vector_subcore>, window_params = [{transform_indices = #map}, {transform_indices = #map1}, {transform_indices = #map1}, {transform_indices = #map}, {transform_indices = #map2}, {transform_indices = #map1}]} {
    %mul3A = arith.constant 632 : i32
    %mul3A_0 = arith.muli %arg1, %mul3A : i32
    "tpu.region"() ({
      %run_scoped3A = tpu.sem_alloc : memref<!tpu.dma_semaphore, #tpu.memory_space<semaphore_mem>>
      %dma_start3A = arith.constant 0 : i32
      %dma_start3A_7 = tpu.memref_slice %arg12[%mul3A_0, %dma_start3A] : memref<10112x128xf32, #tpu.memory_space<vmem_shared>> -> memref<632x128xf32, #tpu.memory_space<vmem_shared>>
      %dma_start3A_8 = arith.constant 0 : i32
      %dma_start3A_9 = tpu.memref_slice %arg5[%mul3A_0, %dma_start3A_8] : memref<10112x128xf32, #tpu.memory_space<hbm>> -> memref<632x128xf32, #tpu.memory_space<hbm>>
      tpu.enqueue_dma source(%dma_start3A_9 : memref<632x128xf32, #tpu.memory_space<hbm>>) target(%dma_start3A_7 : memref<632x128xf32, #tpu.memory_space<vmem_shared>>) target_semaphore(%run_scoped3A : memref<!tpu.dma_semaphore, #tpu.memory_space<semaphore_mem>>)
      %dma_wait3A = arith.constant 0 : i32
      %dma_wait3A_10 = tpu.memref_slice %arg12[%mul3A_0, %dma_wait3A] : memref<10112x128xf32, #tpu.memory_space<vmem_shared>> -> memref<632x128xf32, #tpu.memory_space<vmem_shared>>
      %dma_wait3A_11 = arith.constant 0 : i32
      %dma_wait3A_12 = tpu.memref_slice %arg5[%mul3A_0, %dma_wait3A_11] : memref<10112x128xf32, #tpu.memory_space<hbm>> -> memref<632x128xf32, #tpu.memory_space<hbm>>
      tpu.wait_dma2 semaphore(%run_scoped3A : memref<!tpu.dma_semaphore, #tpu.memory_space<semaphore_mem>>) src(%dma_wait3A_12 : memref<632x128xf32, #tpu.memory_space<hbm>>) dst(%dma_wait3A_10 : memref<632x128xf32, #tpu.memory_space<vmem_shared>>)
      tpu.yield
    }) : () -> ()
    "tpu.region"() ({
      %run_scoped3A = tpu.sem_alloc : memref<!tpu.dma_semaphore, #tpu.memory_space<semaphore_mem>>
      %dma_start3A = arith.constant 0 : i32
      %dma_start3A_7 = arith.constant 0 : i32
      %dma_start3A_8 = tpu.memref_slice %arg5[%dma_start3A, %dma_start3A_7] : memref<10112x128xf32, #tpu.memory_space<hbm>> -> memref<80x128xf32, #tpu.memory_space<hbm>>
      %dma_start3A_9 = arith.constant 0 : i32
      %dma_start3A_10 = arith.constant 0 : i32
      %dma_start3A_11 = tpu.memref_slice %arg5[%dma_start3A_9, %dma_start3A_10] : memref<10112x128xf32, #tpu.memory_space<hbm>> -> memref<80x128xf32, #tpu.memory_space<hbm>>
      tpu.enqueue_dma source(%dma_start3A_11 : memref<80x128xf32, #tpu.memory_space<hbm>>) target(%arg11 : memref<80x128xf32, #tpu.memory_space<vmem>>) target_semaphore(%run_scoped3A : memref<!tpu.dma_semaphore, #tpu.memory_space<semaphore_mem>>)
      %dma_wait3A = arith.constant 0 : i32
      %dma_wait3A_12 = arith.constant 0 : i32
      %dma_wait3A_13 = tpu.memref_slice %arg5[%dma_wait3A, %dma_wait3A_12] : memref<10112x128xf32, #tpu.memory_space<hbm>> -> memref<80x128xf32, #tpu.memory_space<hbm>>
      %dma_wait3A_14 = arith.constant 0 : i32
      %dma_wait3A_15 = arith.constant 0 : i32
      %dma_wait3A_16 = tpu.memref_slice %arg5[%dma_wait3A_14, %dma_wait3A_15] : memref<10112x128xf32, #tpu.memory_space<hbm>> -> memref<80x128xf32, #tpu.memory_space<hbm>>
      tpu.wait_dma2 semaphore(%run_scoped3A : memref<!tpu.dma_semaphore, #tpu.memory_space<semaphore_mem>>) src(%dma_wait3A_16 : memref<80x128xf32, #tpu.memory_space<hbm>>) dst(%arg11 : memref<80x128xf32, #tpu.memory_space<vmem>>)
      tpu.yield
    }) : () -> ()
    "tpu.region"() ({
      %run_scoped3A = tpu.sem_alloc : memref<!tpu.dma_semaphore, #tpu.memory_space<semaphore_mem>>
      %dma_start3A = arith.constant 0 : i32
      %dma_start3A_7 = arith.constant 0 : i32
      %dma_start3A_8 = tpu.memref_slice %arg3[%arg0, %arg1, %dma_start3A, %dma_start3A_7] : memref<2x16x79x128xi32, #tpu.memory_space<hbm>> -> memref<1x1x79x128xi32, #tpu.memory_space<hbm>>
      %dma_start3A_9 = tpu.memref_squeeze %dma_start3A_8 : memref<1x1x79x128xi32, #tpu.memory_space<hbm>> -> memref<79x128xi32, #tpu.memory_space<hbm>>
      %dma_start3A_10 = arith.constant 0 : i32
      %dma_start3A_11 = arith.constant 0 : i32
      %dma_start3A_12 = tpu.memref_slice %arg3[%arg0, %arg1, %dma_start3A_10, %dma_start3A_11] : memref<2x16x79x128xi32, #tpu.memory_space<hbm>> -> memref<1x1x79x128xi32, #tpu.memory_space<hbm>>
      %dma_start3A_13 = tpu.memref_squeeze %dma_start3A_12 : memref<1x1x79x128xi32, #tpu.memory_space<hbm>> -> memref<79x128xi32, #tpu.memory_space<hbm>>
      tpu.enqueue_dma source(%dma_start3A_13 : memref<79x128xi32, #tpu.memory_space<hbm>>) target(%arg8 : memref<79x128xi32, #tpu.memory_space<vmem>>) target_semaphore(%run_scoped3A : memref<!tpu.dma_semaphore, #tpu.memory_space<semaphore_mem>>)
      %dma_wait3A = arith.constant 0 : i32
      %dma_wait3A_14 = arith.constant 0 : i32
      %dma_wait3A_15 = tpu.memref_slice %arg3[%arg0, %arg1, %dma_wait3A, %dma_wait3A_14] : memref<2x16x79x128xi32, #tpu.memory_space<hbm>> -> memref<1x1x79x128xi32, #tpu.memory_space<hbm>>
      %dma_wait3A_16 = tpu.memref_squeeze %dma_wait3A_15 : memref<1x1x79x128xi32, #tpu.memory_space<hbm>> -> memref<79x128xi32, #tpu.memory_space<hbm>>
      %dma_wait3A_17 = arith.constant 0 : i32
      %dma_wait3A_18 = arith.constant 0 : i32
      %dma_wait3A_19 = tpu.memref_slice %arg3[%arg0, %arg1, %dma_wait3A_17, %dma_wait3A_18] : memref<2x16x79x128xi32, #tpu.memory_space<hbm>> -> memref<1x1x79x128xi32, #tpu.memory_space<hbm>>
      %dma_wait3A_20 = tpu.memref_squeeze %dma_wait3A_19 : memref<1x1x79x128xi32, #tpu.memory_space<hbm>> -> memref<79x128xi32, #tpu.memory_space<hbm>>
      tpu.wait_dma2 semaphore(%run_scoped3A : memref<!tpu.dma_semaphore, #tpu.memory_space<semaphore_mem>>) src(%dma_wait3A_20 : memref<79x128xi32, #tpu.memory_space<hbm>>) dst(%arg8 : memref<79x128xi32, #tpu.memory_space<vmem>>)
      tpu.yield
    }) : () -> ()
    "tpu.region"() ({
      %run_scoped3A = tpu.sem_alloc : memref<!tpu.dma_semaphore, #tpu.memory_space<semaphore_mem>>
      %dma_start3A = arith.constant 0 : i32
      %dma_start3A_7 = arith.constant 0 : i32
      %dma_start3A_8 = tpu.memref_slice %arg4[%arg0, %arg1, %dma_start3A, %dma_start3A_7] : memref<2x16x79x128xi32, #tpu.memory_space<hbm>> -> memref<1x1x79x128xi32, #tpu.memory_space<hbm>>
      %dma_start3A_9 = tpu.memref_squeeze %dma_start3A_8 : memref<1x1x79x128xi32, #tpu.memory_space<hbm>> -> memref<79x128xi32, #tpu.memory_space<hbm>>
      %dma_start3A_10 = arith.constant 0 : i32
      %dma_start3A_11 = arith.constant 0 : i32
      %dma_start3A_12 = tpu.memref_slice %arg4[%arg0, %arg1, %dma_start3A_10, %dma_start3A_11] : memref<2x16x79x128xi32, #tpu.memory_space<hbm>> -> memref<1x1x79x128xi32, #tpu.memory_space<hbm>>
      %dma_start3A_13 = tpu.memref_squeeze %dma_start3A_12 : memref<1x1x79x128xi32, #tpu.memory_space<hbm>> -> memref<79x128xi32, #tpu.memory_space<hbm>>
      tpu.enqueue_dma source(%dma_start3A_13 : memref<79x128xi32, #tpu.memory_space<hbm>>) target(%arg9 : memref<79x128xi32, #tpu.memory_space<vmem>>) target_semaphore(%run_scoped3A : memref<!tpu.dma_semaphore, #tpu.memory_space<semaphore_mem>>)
      %dma_wait3A = arith.constant 0 : i32
      %dma_wait3A_14 = arith.constant 0 : i32
      %dma_wait3A_15 = tpu.memref_slice %arg4[%arg0, %arg1, %dma_wait3A, %dma_wait3A_14] : memref<2x16x79x128xi32, #tpu.memory_space<hbm>> -> memref<1x1x79x128xi32, #tpu.memory_space<hbm>>
      %dma_wait3A_16 = tpu.memref_squeeze %dma_wait3A_15 : memref<1x1x79x128xi32, #tpu.memory_space<hbm>> -> memref<79x128xi32, #tpu.memory_space<hbm>>
      %dma_wait3A_17 = arith.constant 0 : i32
      %dma_wait3A_18 = arith.constant 0 : i32
      %dma_wait3A_19 = tpu.memref_slice %arg4[%arg0, %arg1, %dma_wait3A_17, %dma_wait3A_18] : memref<2x16x79x128xi32, #tpu.memory_space<hbm>> -> memref<1x1x79x128xi32, #tpu.memory_space<hbm>>
      %dma_wait3A_20 = tpu.memref_squeeze %dma_wait3A_19 : memref<1x1x79x128xi32, #tpu.memory_space<hbm>> -> memref<79x128xi32, #tpu.memory_space<hbm>>
      tpu.wait_dma2 semaphore(%run_scoped3A : memref<!tpu.dma_semaphore, #tpu.memory_space<semaphore_mem>>) src(%dma_wait3A_20 : memref<79x128xi32, #tpu.memory_space<hbm>>) dst(%arg9 : memref<79x128xi32, #tpu.memory_space<vmem>>)
      tpu.yield
    }) : () -> ()
    %barrier3A = arith.constant 0 : index
    tpu.barrier barrier_id(%barrier3A)
    %broadcast_in_dim3A = arith.constant 1.000000e+00 : f32
    %broadcast_in_dim3A_1 = vector.broadcast %broadcast_in_dim3A : f32 to vector<16xf32>
    %scan3A = arith.constant 0 : i32
    %scan3A_2 = arith.constant 79 : i32
    %scan3A_3 = arith.addi %scan3A, %scan3A_2 : i32
    %scan3A_4 = arith.constant 1 : i32
    scf.for %scan3A_7 = %scan3A to %scan3A_3 step %scan3A_4  : i32 {
      %mul3A_8 = arith.constant 1 : i32
      %mul3A_9 = arith.muli %scan3A_7, %mul3A_8 : i32
      %add3A = arith.constant 0 : i32
      %add3A_10 = arith.addi %add3A, %mul3A_9 : i32
      "tpu.region"() ({
        %run_scoped3A = tpu.sem_alloc : memref<!tpu.dma_semaphore, #tpu.memory_space<semaphore_mem>>
        %dma_start3A = arith.constant 0 : i32
        %dma_start3A_16 = tpu.memref_slice %arg8[%add3A_10, %dma_start3A] : memref<79x128xi32, #tpu.memory_space<vmem>> -> memref<1x128xi32, #tpu.memory_space<vmem>>
        %dma_start3A_17 = tpu.memref_squeeze %dma_start3A_16 : memref<1x128xi32, #tpu.memory_space<vmem>> -> memref<128xi32, #tpu.memory_space<vmem>>
        %dma_start3A_18 = arith.constant 0 : i32
        %dma_start3A_19 = arith.constant 0 : i32
        %dma_start3A_20 = tpu.memref_slice %arg2[%dma_start3A_18, %dma_start3A_19] : memref<10000x128xf32, #tpu.memory_space<hbm>> -> memref<10000x128xf32, #tpu.memory_space<hbm>>
        tpu.enqueue_indirect_dma source(%dma_start3A_20 : memref<10000x128xf32, #tpu.memory_space<hbm>>) target(%arg10 : memref<128x128xf32, #tpu.memory_space<vmem>>) offsets(%dma_start3A_17 : memref<128xi32, #tpu.memory_space<vmem>>) semaphore(%run_scoped3A : memref<!tpu.dma_semaphore, #tpu.memory_space<semaphore_mem>>)
        %dma_wait3A = arith.constant 0 : i32
        %dma_wait3A_21 = tpu.memref_slice %arg8[%add3A_10, %dma_wait3A] : memref<79x128xi32, #tpu.memory_space<vmem>> -> memref<1x128xi32, #tpu.memory_space<vmem>>
        %dma_wait3A_22 = tpu.memref_squeeze %dma_wait3A_21 : memref<1x128xi32, #tpu.memory_space<vmem>> -> memref<128xi32, #tpu.memory_space<vmem>>
        %dma_wait3A_23 = arith.constant 0 : i32
        %dma_wait3A_24 = arith.constant 0 : i32
        %dma_wait3A_25 = tpu.memref_slice %arg2[%dma_wait3A_23, %dma_wait3A_24] : memref<10000x128xf32, #tpu.memory_space<hbm>> -> memref<10000x128xf32, #tpu.memory_space<hbm>>
        tpu.wait_indirect_dma semaphore(%run_scoped3A : memref<!tpu.dma_semaphore, #tpu.memory_space<semaphore_mem>>) src(%dma_wait3A_25 : memref<10000x128xf32, #tpu.memory_space<hbm>>) dst(%arg10 : memref<128x128xf32, #tpu.memory_space<vmem>>)
        tpu.yield
      }) : () -> ()
      "tpu.region"() ({
        %run_scoped3A = tpu.sem_alloc : memref<!tpu.dma_semaphore, #tpu.memory_space<semaphore_mem>>
        %dma_start3A = arith.constant 0 : i32
        %dma_start3A_16 = tpu.memref_slice %arg9[%add3A_10, %dma_start3A] : memref<79x128xi32, #tpu.memory_space<vmem>> -> memref<1x128xi32, #tpu.memory_space<vmem>>
        %dma_start3A_17 = tpu.memref_squeeze %dma_start3A_16 : memref<1x128xi32, #tpu.memory_space<vmem>> -> memref<128xi32, #tpu.memory_space<vmem>>
        %dma_start3A_18 = arith.constant 0 : i32
        %dma_start3A_19 = arith.constant 0 : i32
        %dma_start3A_20 = tpu.memref_slice %arg12[%dma_start3A_18, %dma_start3A_19] : memref<10112x128xf32, #tpu.memory_space<vmem_shared>> -> memref<10112x128xf32, #tpu.memory_space<vmem_shared>>
        tpu.enqueue_indirect_dma source(%arg10 : memref<128x128xf32, #tpu.memory_space<vmem>>) target(%dma_start3A_20 : memref<10112x128xf32, #tpu.memory_space<vmem_shared>>) offsets(%dma_start3A_17 : memref<128xi32, #tpu.memory_space<vmem>>) semaphore(%run_scoped3A : memref<!tpu.dma_semaphore, #tpu.memory_space<semaphore_mem>>) {add = true}
        %dma_wait3A = arith.constant 0 : i32
        %dma_wait3A_21 = tpu.memref_slice %arg9[%add3A_10, %dma_wait3A] : memref<79x128xi32, #tpu.memory_space<vmem>> -> memref<1x128xi32, #tpu.memory_space<vmem>>
        %dma_wait3A_22 = tpu.memref_squeeze %dma_wait3A_21 : memref<1x128xi32, #tpu.memory_space<vmem>> -> memref<128xi32, #tpu.memory_space<vmem>>
        %dma_wait3A_23 = arith.constant 0 : i32
        %dma_wait3A_24 = arith.constant 0 : i32
        %dma_wait3A_25 = tpu.memref_slice %arg12[%dma_wait3A_23, %dma_wait3A_24] : memref<10112x128xf32, #tpu.memory_space<vmem_shared>> -> memref<10112x128xf32, #tpu.memory_space<vmem_shared>>
        tpu.wait_indirect_dma semaphore(%run_scoped3A : memref<!tpu.dma_semaphore, #tpu.memory_space<semaphore_mem>>) src(%arg10 : memref<128x128xf32, #tpu.memory_space<vmem>>) dst(%dma_wait3A_25 : memref<10112x128xf32, #tpu.memory_space<vmem_shared>>)
        tpu.yield
      }) : () -> ()
      %scan3A_11 = arith.constant 0 : i32
      %scan3A_12 = arith.constant 8 : i32
      %scan3A_13 = arith.addi %scan3A_11, %scan3A_12 : i32
      %scan3A_14 = arith.constant 1 : i32
      scf.for %scan3A_16 = %scan3A_11 to %scan3A_13 step %scan3A_14  : i32 {
        %mul3A_17 = arith.constant 1 : i32
        %mul3A_18 = arith.muli %scan3A_16, %mul3A_17 : i32
        %add3A_19 = arith.constant 0 : i32
        %add3A_20 = arith.addi %add3A_19, %mul3A_18 : i32
        %mul3A_21 = arith.constant 16 : i32
        %mul3A_22 = arith.muli %add3A_20, %mul3A_21 : i32
        %get3A = arith.index_cast %add3A_10 : i32 to index
        %get3A_23 = arith.index_cast %mul3A_22 : i32 to index
        %get3A_24 = tpu.vector_load %arg9[%get3A, %get3A_23] {strides = array<i32>} : memref<79x128xi32, #tpu.memory_space<vmem>>, vector<16xi32>,
        %shift_right_logical3A = arith.constant 7 : i32
        %shift_right_logical3A_25 = vector.broadcast %shift_right_logical3A : i32 to vector<16xi32>
        %shift_right_logical3A_26 = arith.shrui %get3A_24, %shift_right_logical3A_25 : vector<16xi32>
        %and3A = arith.constant 127 : i32
        %and3A_27 = vector.broadcast %and3A : i32 to vector<16xi32>
        %and3A_28 = arith.andi %get3A_24, %and3A_27 : vector<16xi32>
        tpu.vector_store_idx %arg11[%shift_right_logical3A_26, %and3A_28], %broadcast_in_dim3A_1 {add = true} : memref<80x128xf32, #tpu.memory_space<vmem>>[vector<16xi32>, vector<16xi32>], vector<16xf32>,
      }
      %scan3A_15 = arith.constant 8 : i32
    }
    %scan3A_5 = arith.constant 79 : i32
    %barrier3A_6 = arith.constant 0 : index
    tpu.barrier barrier_id(%barrier3A_6)
    "tpu.region"() ({
      %run_scoped3A = tpu.sem_alloc : memref<!tpu.dma_semaphore, #tpu.memory_space<semaphore_mem>>
      %dma_start3A = arith.constant 0 : i32
      %dma_start3A_7 = tpu.memref_slice %arg6[%arg0, %mul3A_0, %dma_start3A] : memref<2x10112x128xf32, #tpu.memory_space<hbm>> -> memref<1x632x128xf32, #tpu.memory_space<hbm>>
      %dma_start3A_8 = tpu.memref_squeeze %dma_start3A_7 : memref<1x632x128xf32, #tpu.memory_space<hbm>> -> memref<632x128xf32, #tpu.memory_space<hbm>>
      %dma_start3A_9 = arith.constant 0 : i32
      %dma_start3A_10 = tpu.memref_slice %arg12[%mul3A_0, %dma_start3A_9] : memref<10112x128xf32, #tpu.memory_space<vmem_shared>> -> memref<632x128xf32, #tpu.memory_space<vmem_shared>>
      tpu.enqueue_dma source(%dma_start3A_10 : memref<632x128xf32, #tpu.memory_space<vmem_shared>>) target(%dma_start3A_8 : memref<632x128xf32, #tpu.memory_space<hbm>>) target_semaphore(%run_scoped3A : memref<!tpu.dma_semaphore, #tpu.memory_space<semaphore_mem>>)
      %dma_wait3A = arith.constant 0 : i32
      %dma_wait3A_11 = tpu.memref_slice %arg6[%arg0, %mul3A_0, %dma_wait3A] : memref<2x10112x128xf32, #tpu.memory_space<hbm>> -> memref<1x632x128xf32, #tpu.memory_space<hbm>>
      %dma_wait3A_12 = tpu.memref_squeeze %dma_wait3A_11 : memref<1x632x128xf32, #tpu.memory_space<hbm>> -> memref<632x128xf32, #tpu.memory_space<hbm>>
      %dma_wait3A_13 = arith.constant 0 : i32
      %dma_wait3A_14 = tpu.memref_slice %arg12[%mul3A_0, %dma_wait3A_13] : memref<10112x128xf32, #tpu.memory_space<vmem_shared>> -> memref<632x128xf32, #tpu.memory_space<vmem_shared>>
      tpu.wait_dma2 semaphore(%run_scoped3A : memref<!tpu.dma_semaphore, #tpu.memory_space<semaphore_mem>>) src(%dma_wait3A_14 : memref<632x128xf32, #tpu.memory_space<vmem_shared>>) dst(%dma_wait3A_12 : memref<632x128xf32, #tpu.memory_space<hbm>>)
      tpu.yield
    }) : () -> ()
    "tpu.region"() ({
      %run_scoped3A = tpu.sem_alloc : memref<!tpu.dma_semaphore, #tpu.memory_space<semaphore_mem>>
      %dma_start3A = arith.constant 0 : i32
      %dma_start3A_7 = arith.constant 0 : i32
      %dma_start3A_8 = tpu.memref_slice %arg7[%arg0, %arg1, %dma_start3A, %dma_start3A_7] : memref<2x16x80x128xf32, #tpu.memory_space<hbm>> -> memref<1x1x80x128xf32, #tpu.memory_space<hbm>>
      %dma_start3A_9 = tpu.memref_squeeze %dma_start3A_8 : memref<1x1x80x128xf32, #tpu.memory_space<hbm>> -> memref<80x128xf32, #tpu.memory_space<hbm>>
      %dma_start3A_10 = arith.constant 0 : i32
      %dma_start3A_11 = arith.constant 0 : i32
      %dma_start3A_12 = tpu.memref_slice %arg7[%arg0, %arg1, %dma_start3A_10, %dma_start3A_11] : memref<2x16x80x128xf32, #tpu.memory_space<hbm>> -> memref<1x1x80x128xf32, #tpu.memory_space<hbm>>
      %dma_start3A_13 = tpu.memref_squeeze %dma_start3A_12 : memref<1x1x80x128xf32, #tpu.memory_space<hbm>> -> memref<80x128xf32, #tpu.memory_space<hbm>>
      tpu.enqueue_dma source(%arg11 : memref<80x128xf32, #tpu.memory_space<vmem>>) target(%dma_start3A_13 : memref<80x128xf32, #tpu.memory_space<hbm>>) target_semaphore(%run_scoped3A : memref<!tpu.dma_semaphore, #tpu.memory_space<semaphore_mem>>)
      %dma_wait3A = arith.constant 0 : i32
      %dma_wait3A_14 = arith.constant 0 : i32
      %dma_wait3A_15 = tpu.memref_slice %arg7[%arg0, %arg1, %dma_wait3A, %dma_wait3A_14] : memref<2x16x80x128xf32, #tpu.memory_space<hbm>> -> memref<1x1x80x128xf32, #tpu.memory_space<hbm>>
      %dma_wait3A_16 = tpu.memref_squeeze %dma_wait3A_15 : memref<1x1x80x128xf32, #tpu.memory_space<hbm>> -> memref<80x128xf32, #tpu.memory_space<hbm>>
      %dma_wait3A_17 = arith.constant 0 : i32
      %dma_wait3A_18 = arith.constant 0 : i32
      %dma_wait3A_19 = tpu.memref_slice %arg7[%arg0, %arg1, %dma_wait3A_17, %dma_wait3A_18] : memref<2x16x80x128xf32, #tpu.memory_space<hbm>> -> memref<1x1x80x128xf32, #tpu.memory_space<hbm>>
      %dma_wait3A_20 = tpu.memref_squeeze %dma_wait3A_19 : memref<1x1x80x128xf32, #tpu.memory_space<hbm>> -> memref<80x128xf32, #tpu.memory_space<hbm>>
      tpu.wait_dma2 semaphore(%run_scoped3A : memref<!tpu.dma_semaphore, #tpu.memory_space<semaphore_mem>>) src(%arg11 : memref<80x128xf32, #tpu.memory_space<vmem>>) dst(%dma_wait3A_20 : memref<80x128xf32, #tpu.memory_space<hbm>>)
      tpu.yield
    }) : () -> ()
    return
  }
}

#map = affine_map<(d0, d1) -> (0, 0)>
#map1 = affine_map<(d0, d1) -> (0, 0, 0, 0)>
#map2 = affine_map<(d0, d1) -> (0, 0, 0)>
module attributes {stable_mosaic.version = 14 : i64} {
  func.func @body(%arg0: i32, %arg1: i32, %arg2: memref<10000x128xf32, #tpu.memory_space<hbm>>, %arg3: memref<2x16x79x128xi32, #tpu.memory_space<hbm>>, %arg4: memref<2x16x79x128xi32, #tpu.memory_space<hbm>>, %arg5: memref<10112x128xf32, #tpu.memory_space<hbm>>, %arg6: memref<2x10112x128xf32, #tpu.memory_space<hbm>>, %arg7: memref<2x16x80x128xf32, #tpu.memory_space<hbm>>, %arg8: memref<79x128xi32, #tpu.memory_space<vmem>>, %arg9: memref<79x128xi32, #tpu.memory_space<vmem>>, %arg10: memref<128x128xf32, #tpu.memory_space<vmem>>, %arg11: memref<80x128xf32, #tpu.memory_space<vmem>>, %arg12: memref<10112x128xf32, #tpu.memory_space<vmem_shared>>) attributes {dimension_semantics = [#tpu.dimension_semantics<core_parallel>, #tpu.dimension_semantics<subcore_parallel>], iteration_bounds = array<i64: 2, 16>, scalar_prefetch = 0 : i64, scratch_operands = 5 : i64, tpu.core_type = #tpu.core_type<sc_vector_subcore>, window_params = [{transform_indices = #map}, {transform_indices = #map1}, {transform_indices = #map1}, {transform_indices = #map}, {transform_indices = #map2}, {transform_indices = #map1}]} {
    %mul3A = arith.constant 632 : i32
    %mul3A_0 = arith.muli %arg1, %mul3A : i32
    "tpu.region"() ({
      %run_scoped3A = tpu.sem_alloc : memref<!tpu.dma_semaphore, #tpu.memory_space<semaphore_mem>>
      %dma_start3A = arith.constant 0 : i32
      %dma_start3A_7 = tpu.memref_slice %arg12[%mul3A_0, %dma_start3A] : memref<10112x128xf32, #tpu.memory_space<vmem_shared>> -> memref<632x128xf32, #tpu.memory_space<vmem_shared>>
      %dma_start3A_8 = arith.constant 0 : i32
      %dma_start3A_9 = tpu.memref_slice %arg5[%mul3A_0, %dma_start3A_8] : memref<10112x128xf32, #tpu.memory_space<hbm>> -> memref<632x128xf32, #tpu.memory_space<hbm>>
      tpu.enqueue_dma source(%dma_start3A_9 : memref<632x128xf32, #tpu.memory_space<hbm>>) target(%dma_start3A_7 : memref<632x128xf32, #tpu.memory_space<vmem_shared>>) target_semaphore(%run_scoped3A : memref<!tpu.dma_semaphore, #tpu.memory_space<semaphore_mem>>)
      %dma_wait3A = arith.constant 0 : i32
      %dma_wait3A_10 = tpu.memref_slice %arg12[%mul3A_0, %dma_wait3A] : memref<10112x128xf32, #tpu.memory_space<vmem_shared>> -> memref<632x128xf32, #tpu.memory_space<vmem_shared>>
      %dma_wait3A_11 = arith.constant 0 : i32
      %dma_wait3A_12 = tpu.memref_slice %arg5[%mul3A_0, %dma_wait3A_11] : memref<10112x128xf32, #tpu.memory_space<hbm>> -> memref<632x128xf32, #tpu.memory_space<hbm>>
      tpu.wait_dma2 semaphore(%run_scoped3A : memref<!tpu.dma_semaphore, #tpu.memory_space<semaphore_mem>>) src(%dma_wait3A_12 : memref<632x128xf32, #tpu.memory_space<hbm>>) dst(%dma_wait3A_10 : memref<632x128xf32, #tpu.memory_space<vmem_shared>>)
      tpu.yield
    }) : () -> ()
    "tpu.region"() ({
      %run_scoped3A = tpu.sem_alloc : memref<!tpu.dma_semaphore, #tpu.memory_space<semaphore_mem>>
      %dma_start3A = arith.constant 0 : i32
      %dma_start3A_7 = arith.constant 0 : i32
      %dma_start3A_8 = tpu.memref_slice %arg5[%dma_start3A, %dma_start3A_7] : memref<10112x128xf32, #tpu.memory_space<hbm>> -> memref<80x128xf32, #tpu.memory_space<hbm>>
      %dma_start3A_9 = arith.constant 0 : i32
      %dma_start3A_10 = arith.constant 0 : i32
      %dma_start3A_11 = tpu.memref_slice %arg5[%dma_start3A_9, %dma_start3A_10] : memref<10112x128xf32, #tpu.memory_space<hbm>> -> memref<80x128xf32, #tpu.memory_space<hbm>>
      tpu.enqueue_dma source(%dma_start3A_11 : memref<80x128xf32, #tpu.memory_space<hbm>>) target(%arg11 : memref<80x128xf32, #tpu.memory_space<vmem>>) target_semaphore(%run_scoped3A : memref<!tpu.dma_semaphore, #tpu.memory_space<semaphore_mem>>)
      %dma_wait3A = arith.constant 0 : i32
      %dma_wait3A_12 = arith.constant 0 : i32
      %dma_wait3A_13 = tpu.memref_slice %arg5[%dma_wait3A, %dma_wait3A_12] : memref<10112x128xf32, #tpu.memory_space<hbm>> -> memref<80x128xf32, #tpu.memory_space<hbm>>
      %dma_wait3A_14 = arith.constant 0 : i32
      %dma_wait3A_15 = arith.constant 0 : i32
      %dma_wait3A_16 = tpu.memref_slice %arg5[%dma_wait3A_14, %dma_wait3A_15] : memref<10112x128xf32, #tpu.memory_space<hbm>> -> memref<80x128xf32, #tpu.memory_space<hbm>>
      tpu.wait_dma2 semaphore(%run_scoped3A : memref<!tpu.dma_semaphore, #tpu.memory_space<semaphore_mem>>) src(%dma_wait3A_16 : memref<80x128xf32, #tpu.memory_space<hbm>>) dst(%arg11 : memref<80x128xf32, #tpu.memory_space<vmem>>)
      tpu.yield
    }) : () -> ()
    "tpu.region"() ({
      %run_scoped3A = tpu.sem_alloc : memref<!tpu.dma_semaphore, #tpu.memory_space<semaphore_mem>>
      %dma_start3A = arith.constant 0 : i32
      %dma_start3A_7 = arith.constant 0 : i32
      %dma_start3A_8 = tpu.memref_slice %arg3[%arg0, %arg1, %dma_start3A, %dma_start3A_7] : memref<2x16x79x128xi32, #tpu.memory_space<hbm>> -> memref<1x1x79x128xi32, #tpu.memory_space<hbm>>
      %dma_start3A_9 = tpu.memref_squeeze %dma_start3A_8 : memref<1x1x79x128xi32, #tpu.memory_space<hbm>> -> memref<79x128xi32, #tpu.memory_space<hbm>>
      %dma_start3A_10 = arith.constant 0 : i32
      %dma_start3A_11 = arith.constant 0 : i32
      %dma_start3A_12 = tpu.memref_slice %arg3[%arg0, %arg1, %dma_start3A_10, %dma_start3A_11] : memref<2x16x79x128xi32, #tpu.memory_space<hbm>> -> memref<1x1x79x128xi32, #tpu.memory_space<hbm>>
      %dma_start3A_13 = tpu.memref_squeeze %dma_start3A_12 : memref<1x1x79x128xi32, #tpu.memory_space<hbm>> -> memref<79x128xi32, #tpu.memory_space<hbm>>
      tpu.enqueue_dma source(%dma_start3A_13 : memref<79x128xi32, #tpu.memory_space<hbm>>) target(%arg8 : memref<79x128xi32, #tpu.memory_space<vmem>>) target_semaphore(%run_scoped3A : memref<!tpu.dma_semaphore, #tpu.memory_space<semaphore_mem>>)
      %dma_wait3A = arith.constant 0 : i32
      %dma_wait3A_14 = arith.constant 0 : i32
      %dma_wait3A_15 = tpu.memref_slice %arg3[%arg0, %arg1, %dma_wait3A, %dma_wait3A_14] : memref<2x16x79x128xi32, #tpu.memory_space<hbm>> -> memref<1x1x79x128xi32, #tpu.memory_space<hbm>>
      %dma_wait3A_16 = tpu.memref_squeeze %dma_wait3A_15 : memref<1x1x79x128xi32, #tpu.memory_space<hbm>> -> memref<79x128xi32, #tpu.memory_space<hbm>>
      %dma_wait3A_17 = arith.constant 0 : i32
      %dma_wait3A_18 = arith.constant 0 : i32
      %dma_wait3A_19 = tpu.memref_slice %arg3[%arg0, %arg1, %dma_wait3A_17, %dma_wait3A_18] : memref<2x16x79x128xi32, #tpu.memory_space<hbm>> -> memref<1x1x79x128xi32, #tpu.memory_space<hbm>>
      %dma_wait3A_20 = tpu.memref_squeeze %dma_wait3A_19 : memref<1x1x79x128xi32, #tpu.memory_space<hbm>> -> memref<79x128xi32, #tpu.memory_space<hbm>>
      tpu.wait_dma2 semaphore(%run_scoped3A : memref<!tpu.dma_semaphore, #tpu.memory_space<semaphore_mem>>) src(%dma_wait3A_20 : memref<79x128xi32, #tpu.memory_space<hbm>>) dst(%arg8 : memref<79x128xi32, #tpu.memory_space<vmem>>)
      tpu.yield
    }) : () -> ()
    "tpu.region"() ({
      %run_scoped3A = tpu.sem_alloc : memref<!tpu.dma_semaphore, #tpu.memory_space<semaphore_mem>>
      %dma_start3A = arith.constant 0 : i32
      %dma_start3A_7 = arith.constant 0 : i32
      %dma_start3A_8 = tpu.memref_slice %arg4[%arg0, %arg1, %dma_start3A, %dma_start3A_7] : memref<2x16x79x128xi32, #tpu.memory_space<hbm>> -> memref<1x1x79x128xi32, #tpu.memory_space<hbm>>
      %dma_start3A_9 = tpu.memref_squeeze %dma_start3A_8 : memref<1x1x79x128xi32, #tpu.memory_space<hbm>> -> memref<79x128xi32, #tpu.memory_space<hbm>>
      %dma_start3A_10 = arith.constant 0 : i32
      %dma_start3A_11 = arith.constant 0 : i32
      %dma_start3A_12 = tpu.memref_slice %arg4[%arg0, %arg1, %dma_start3A_10, %dma_start3A_11] : memref<2x16x79x128xi32, #tpu.memory_space<hbm>> -> memref<1x1x79x128xi32, #tpu.memory_space<hbm>>
      %dma_start3A_13 = tpu.memref_squeeze %dma_start3A_12 : memref<1x1x79x128xi32, #tpu.memory_space<hbm>> -> memref<79x128xi32, #tpu.memory_space<hbm>>
      tpu.enqueue_dma source(%dma_start3A_13 : memref<79x128xi32, #tpu.memory_space<hbm>>) target(%arg9 : memref<79x128xi32, #tpu.memory_space<vmem>>) target_semaphore(%run_scoped3A : memref<!tpu.dma_semaphore, #tpu.memory_space<semaphore_mem>>)
      %dma_wait3A = arith.constant 0 : i32
      %dma_wait3A_14 = arith.constant 0 : i32
      %dma_wait3A_15 = tpu.memref_slice %arg4[%arg0, %arg1, %dma_wait3A, %dma_wait3A_14] : memref<2x16x79x128xi32, #tpu.memory_space<hbm>> -> memref<1x1x79x128xi32, #tpu.memory_space<hbm>>
      %dma_wait3A_16 = tpu.memref_squeeze %dma_wait3A_15 : memref<1x1x79x128xi32, #tpu.memory_space<hbm>> -> memref<79x128xi32, #tpu.memory_space<hbm>>
      %dma_wait3A_17 = arith.constant 0 : i32
      %dma_wait3A_18 = arith.constant 0 : i32
      %dma_wait3A_19 = tpu.memref_slice %arg4[%arg0, %arg1, %dma_wait3A_17, %dma_wait3A_18] : memref<2x16x79x128xi32, #tpu.memory_space<hbm>> -> memref<1x1x79x128xi32, #tpu.memory_space<hbm>>
      %dma_wait3A_20 = tpu.memref_squeeze %dma_wait3A_19 : memref<1x1x79x128xi32, #tpu.memory_space<hbm>> -> memref<79x128xi32, #tpu.memory_space<hbm>>
      tpu.wait_dma2 semaphore(%run_scoped3A : memref<!tpu.dma_semaphore, #tpu.memory_space<semaphore_mem>>) src(%dma_wait3A_20 : memref<79x128xi32, #tpu.memory_space<hbm>>) dst(%arg9 : memref<79x128xi32, #tpu.memory_space<vmem>>)
      tpu.yield
    }) : () -> ()
    %barrier3A = arith.constant 0 : index
    tpu.barrier barrier_id(%barrier3A)
    %broadcast_in_dim3A = arith.constant 1.000000e+00 : f32
    %broadcast_in_dim3A_1 = vector.broadcast %broadcast_in_dim3A : f32 to vector<16xf32>
    %scan3A = arith.constant 0 : i32
    %scan3A_2 = arith.constant 79 : i32
    %scan3A_3 = arith.addi %scan3A, %scan3A_2 : i32
    %scan3A_4 = arith.constant 1 : i32
    scf.for %scan3A_7 = %scan3A to %scan3A_3 step %scan3A_4  : i32 {
      %mul3A_8 = arith.constant 1 : i32
      %mul3A_9 = arith.muli %scan3A_7, %mul3A_8 : i32
      %add3A = arith.constant 0 : i32
      %add3A_10 = arith.addi %add3A, %mul3A_9 : i32
      "tpu.region"() ({
        %run_scoped3A = tpu.sem_alloc : memref<!tpu.dma_semaphore, #tpu.memory_space<semaphore_mem>>
        %dma_start3A = arith.constant 0 : i32
        %dma_start3A_16 = tpu.memref_slice %arg8[%add3A_10, %dma_start3A] : memref<79x128xi32, #tpu.memory_space<vmem>> -> memref<1x128xi32, #tpu.memory_space<vmem>>
        %dma_start3A_17 = tpu.memref_squeeze %dma_start3A_16 : memref<1x128xi32, #tpu.memory_space<vmem>> -> memref<128xi32, #tpu.memory_space<vmem>>
        %dma_start3A_18 = arith.constant 0 : i32
        %dma_start3A_19 = arith.constant 0 : i32
        %dma_start3A_20 = tpu.memref_slice %arg2[%dma_start3A_18, %dma_start3A_19] : memref<10000x128xf32, #tpu.memory_space<hbm>> -> memref<10000x128xf32, #tpu.memory_space<hbm>>
        tpu.enqueue_indirect_dma source(%dma_start3A_20 : memref<10000x128xf32, #tpu.memory_space<hbm>>) target(%arg10 : memref<128x128xf32, #tpu.memory_space<vmem>>) offsets(%dma_start3A_17 : memref<128xi32, #tpu.memory_space<vmem>>) semaphore(%run_scoped3A : memref<!tpu.dma_semaphore, #tpu.memory_space<semaphore_mem>>)
        %dma_wait3A = arith.constant 0 : i32
        %dma_wait3A_21 = tpu.memref_slice %arg8[%add3A_10, %dma_wait3A] : memref<79x128xi32, #tpu.memory_space<vmem>> -> memref<1x128xi32, #tpu.memory_space<vmem>>
        %dma_wait3A_22 = tpu.memref_squeeze %dma_wait3A_21 : memref<1x128xi32, #tpu.memory_space<vmem>> -> memref<128xi32, #tpu.memory_space<vmem>>
        %dma_wait3A_23 = arith.constant 0 : i32
        %dma_wait3A_24 = arith.constant 0 : i32
        %dma_wait3A_25 = tpu.memref_slice %arg2[%dma_wait3A_23, %dma_wait3A_24] : memref<10000x128xf32, #tpu.memory_space<hbm>> -> memref<10000x128xf32, #tpu.memory_space<hbm>>
        tpu.wait_indirect_dma semaphore(%run_scoped3A : memref<!tpu.dma_semaphore, #tpu.memory_space<semaphore_mem>>) src(%dma_wait3A_25 : memref<10000x128xf32, #tpu.memory_space<hbm>>) dst(%arg10 : memref<128x128xf32, #tpu.memory_space<vmem>>)
        tpu.yield
      }) : () -> ()
      "tpu.region"() ({
        %run_scoped3A = tpu.sem_alloc : memref<!tpu.dma_semaphore, #tpu.memory_space<semaphore_mem>>
        %dma_start3A = arith.constant 0 : i32
        %dma_start3A_16 = tpu.memref_slice %arg9[%add3A_10, %dma_start3A] : memref<79x128xi32, #tpu.memory_space<vmem>> -> memref<1x128xi32, #tpu.memory_space<vmem>>
        %dma_start3A_17 = tpu.memref_squeeze %dma_start3A_16 : memref<1x128xi32, #tpu.memory_space<vmem>> -> memref<128xi32, #tpu.memory_space<vmem>>
        %dma_start3A_18 = arith.constant 0 : i32
        %dma_start3A_19 = arith.constant 0 : i32
        %dma_start3A_20 = tpu.memref_slice %arg12[%dma_start3A_18, %dma_start3A_19] : memref<10112x128xf32, #tpu.memory_space<vmem_shared>> -> memref<10112x128xf32, #tpu.memory_space<vmem_shared>>
        tpu.enqueue_indirect_dma source(%arg10 : memref<128x128xf32, #tpu.memory_space<vmem>>) target(%dma_start3A_20 : memref<10112x128xf32, #tpu.memory_space<vmem_shared>>) offsets(%dma_start3A_17 : memref<128xi32, #tpu.memory_space<vmem>>) semaphore(%run_scoped3A : memref<!tpu.dma_semaphore, #tpu.memory_space<semaphore_mem>>) {add = true}
        %dma_wait3A = arith.constant 0 : i32
        %dma_wait3A_21 = tpu.memref_slice %arg9[%add3A_10, %dma_wait3A] : memref<79x128xi32, #tpu.memory_space<vmem>> -> memref<1x128xi32, #tpu.memory_space<vmem>>
        %dma_wait3A_22 = tpu.memref_squeeze %dma_wait3A_21 : memref<1x128xi32, #tpu.memory_space<vmem>> -> memref<128xi32, #tpu.memory_space<vmem>>
        %dma_wait3A_23 = arith.constant 0 : i32
        %dma_wait3A_24 = arith.constant 0 : i32
        %dma_wait3A_25 = tpu.memref_slice %arg12[%dma_wait3A_23, %dma_wait3A_24] : memref<10112x128xf32, #tpu.memory_space<vmem_shared>> -> memref<10112x128xf32, #tpu.memory_space<vmem_shared>>
        tpu.wait_indirect_dma semaphore(%run_scoped3A : memref<!tpu.dma_semaphore, #tpu.memory_space<semaphore_mem>>) src(%arg10 : memref<128x128xf32, #tpu.memory_space<vmem>>) dst(%dma_wait3A_25 : memref<10112x128xf32, #tpu.memory_space<vmem_shared>>)
        tpu.yield
      }) : () -> ()
      %scan3A_11 = arith.constant 0 : i32
      %scan3A_12 = arith.constant 8 : i32
      %scan3A_13 = arith.addi %scan3A_11, %scan3A_12 : i32
      %scan3A_14 = arith.constant 1 : i32
      scf.for %scan3A_16 = %scan3A_11 to %scan3A_13 step %scan3A_14  : i32 {
        %mul3A_17 = arith.constant 1 : i32
        %mul3A_18 = arith.muli %scan3A_16, %mul3A_17 : i32
        %add3A_19 = arith.constant 0 : i32
        %add3A_20 = arith.addi %add3A_19, %mul3A_18 : i32
        %mul3A_21 = arith.constant 16 : i32
        %mul3A_22 = arith.muli %add3A_20, %mul3A_21 : i32
        %get3A = arith.index_cast %add3A_10 : i32 to index
        %get3A_23 = arith.index_cast %mul3A_22 : i32 to index
        %get3A_24 = tpu.vector_load %arg9[%get3A, %get3A_23] {strides = array<i32>} : memref<79x128xi32, #tpu.memory_space<vmem>>, vector<16xi32>,
        %shift_right_logical3A = arith.constant 7 : i32
        %shift_right_logical3A_25 = vector.broadcast %shift_right_logical3A : i32 to vector<16xi32>
        %shift_right_logical3A_26 = arith.shrui %get3A_24, %shift_right_logical3A_25 : vector<16xi32>
        %and3A = arith.constant 127 : i32
        %and3A_27 = vector.broadcast %and3A : i32 to vector<16xi32>
        %and3A_28 = arith.andi %get3A_24, %and3A_27 : vector<16xi32>
        tpu.vector_store_idx %arg11[%shift_right_logical3A_26, %and3A_28], %broadcast_in_dim3A_1 {add = true} : memref<80x128xf32, #tpu.memory_space<vmem>>[vector<16xi32>, vector<16xi32>], vector<16xf32>,
      }
      %scan3A_15 = arith.constant 8 : i32
    }
    %scan3A_5 = arith.constant 79 : i32
    %barrier3A_6 = arith.constant 0 : index
    tpu.barrier barrier_id(%barrier3A_6)
    "tpu.region"() ({
      %run_scoped3A = tpu.sem_alloc : memref<!tpu.dma_semaphore, #tpu.memory_space<semaphore_mem>>
      %dma_start3A = arith.constant 0 : i32
      %dma_start3A_7 = tpu.memref_slice %arg6[%arg0, %mul3A_0, %dma_start3A] : memref<2x10112x128xf32, #tpu.memory_space<hbm>> -> memref<1x632x128xf32, #tpu.memory_space<hbm>>
      %dma_start3A_8 = tpu.memref_squeeze %dma_start3A_7 : memref<1x632x128xf32, #tpu.memory_space<hbm>> -> memref<632x128xf32, #tpu.memory_space<hbm>>
      %dma_start3A_9 = arith.constant 0 : i32
      %dma_start3A_10 = tpu.memref_slice %arg12[%mul3A_0, %dma_start3A_9] : memref<10112x128xf32, #tpu.memory_space<vmem_shared>> -> memref<632x128xf32, #tpu.memory_space<vmem_shared>>
      tpu.enqueue_dma source(%dma_start3A_10 : memref<632x128xf32, #tpu.memory_space<vmem_shared>>) target(%dma_start3A_8 : memref<632x128xf32, #tpu.memory_space<hbm>>) target_semaphore(%run_scoped3A : memref<!tpu.dma_semaphore, #tpu.memory_space<semaphore_mem>>)
      %dma_wait3A = arith.constant 0 : i32
      %dma_wait3A_11 = tpu.memref_slice %arg6[%arg0, %mul3A_0, %dma_wait3A] : memref<2x10112x128xf32, #tpu.memory_space<hbm>> -> memref<1x632x128xf32, #tpu.memory_space<hbm>>
      %dma_wait3A_12 = tpu.memref_squeeze %dma_wait3A_11 : memref<1x632x128xf32, #tpu.memory_space<hbm>> -> memref<632x128xf32, #tpu.memory_space<hbm>>
      %dma_wait3A_13 = arith.constant 0 : i32
      %dma_wait3A_14 = tpu.memref_slice %arg12[%mul3A_0, %dma_wait3A_13] : memref<10112x128xf32, #tpu.memory_space<vmem_shared>> -> memref<632x128xf32, #tpu.memory_space<vmem_shared>>
      tpu.wait_dma2 semaphore(%run_scoped3A : memref<!tpu.dma_semaphore, #tpu.memory_space<semaphore_mem>>) src(%dma_wait3A_14 : memref<632x128xf32, #tpu.memory_space<vmem_shared>>) dst(%dma_wait3A_12 : memref<632x128xf32, #tpu.memory_space<hbm>>)
      tpu.yield
    }) : () -> ()
    "tpu.region"() ({
      %run_scoped3A = tpu.sem_alloc : memref<!tpu.dma_semaphore, #tpu.memory_space<semaphore_mem>>
      %dma_start3A = arith.constant 0 : i32
      %dma_start3A_7 = arith.constant 0 : i32
      %dma_start3A_8 = tpu.memref_slice %arg7[%arg0, %arg1, %dma_start3A, %dma_start3A_7] : memref<2x16x80x128xf32, #tpu.memory_space<hbm>> -> memref<1x1x80x128xf32, #tpu.memory_space<hbm>>
      %dma_start3A_9 = tpu.memref_squeeze %dma_start3A_8 : memref<1x1x80x128xf32, #tpu.memory_space<hbm>> -> memref<80x128xf32, #tpu.memory_space<hbm>>
      %dma_start3A_10 = arith.constant 0 : i32
      %dma_start3A_11 = arith.constant 0 : i32
      %dma_start3A_12 = tpu.memref_slice %arg7[%arg0, %arg1, %dma_start3A_10, %dma_start3A_11] : memref<2x16x80x128xf32, #tpu.memory_space<hbm>> -> memref<1x1x80x128xf32, #tpu.memory_space<hbm>>
      %dma_start3A_13 = tpu.memref_squeeze %dma_start3A_12 : memref<1x1x80x128xf32, #tpu.memory_space<hbm>> -> memref<80x128xf32, #tpu.memory_space<hbm>>
      tpu.enqueue_dma source(%arg11 : memref<80x128xf32, #tpu.memory_space<vmem>>) target(%dma_start3A_13 : memref<80x128xf32, #tpu.memory_space<hbm>>) target_semaphore(%run_scoped3A : memref<!tpu.dma_semaphore, #tpu.memory_space<semaphore_mem>>)
      %dma_wait3A = arith.constant 0 : i32
      %dma_wait3A_14 = arith.constant 0 : i32
      %dma_wait3A_15 = tpu.memref_slice %arg7[%arg0, %arg1, %dma_wait3A, %dma_wait3A_14] : memref<2x16x80x128xf32, #tpu.memory_space<hbm>> -> memref<1x1x80x128xf32, #tpu.memory_space<hbm>>
      %dma_wait3A_16 = tpu.memref_squeeze %dma_wait3A_15 : memref<1x1x80x128xf32, #tpu.memory_space<hbm>> -> memref<80x128xf32, #tpu.memory_space<hbm>>
      %dma_wait3A_17 = arith.constant 0 : i32
      %dma_wait3A_18 = arith.constant 0 : i32
      %dma_wait3A_19 = tpu.memref_slice %arg7[%arg0, %arg1, %dma_wait3A_17, %dma_wait3A_18] : memref<2x16x80x128xf32, #tpu.memory_space<hbm>> -> memref<1x1x80x128xf32, #tpu.memory_space<hbm>>
      %dma_wait3A_20 = tpu.memref_squeeze %dma_wait3A_19 : memref<1x1x80x128xf32, #tpu.memory_space<hbm>> -> memref<80x128xf32, #tpu.memory_space<hbm>>
      tpu.wait_dma2 semaphore(%run_scoped3A : memref<!tpu.dma_semaphore, #tpu.memory_space<semaphore_mem>>) src(%arg11 : memref<80x128xf32, #tpu.memory_space<vmem>>) dst(%dma_wait3A_20 : memref<80x128xf32, #tpu.memory_space<hbm>>)
      tpu.yield
    }) : () -> ()
    return
  }
}

module attributes {stable_mosaic.version = 14 : i64} {
  func.func @_k_first(%arg0: memref<10000x128xf32, #tpu.memory_space<vmem>>, %arg1: memref<128x128xf32, #tpu.memory_space<vmem>>, %arg2: memref<128x128xf32, #tpu.memory_space<vmem>>, %arg3: memref<1x128xf32, #tpu.memory_space<vmem>>, %arg4: memref<10000x128xf32, #tpu.memory_space<vmem>>, %arg5: memref<10000x128xf32, #tpu.memory_space<vmem>>) attributes {dimension_semantics = [], scalar_prefetch = 0 : i64, scratch_operands = 0 : i64, tpu.core_type = #tpu.core_type<tc>} {
    %get3A = arith.constant 0 : index
    %get3A_0 = arith.constant 0 : index
    %get3A_1 = vector.load %arg0[%get3A, %get3A_0] : memref<10000x128xf32, #tpu.memory_space<vmem>>, vector<10000x128xf32>
    %get3A_2 = arith.constant 0 : index
    %get3A_3 = arith.constant 0 : index
    %get3A_4 = vector.load %arg1[%get3A_2, %get3A_3] : memref<128x128xf32, #tpu.memory_space<vmem>>, vector<128x128xf32>
    %dot_general3A = arith.constant dense<0.000000e+00> : vector<10000x128xf32>
    %dot_general3A_5 = tpu.matmul %get3A_1, %get3A_4, %dot_general3A {dimension_numbers = #tpu.dot_dimension_numbers<[1], [0], [0], [1], [0, 0, 1, 1], [], []>, transpose_lhs_hint = false} : vector<10000x128xf32>, vector<128x128xf32>, vector<10000x128xf32> -> vector<10000x128xf32>
    %swap3A = arith.constant 0 : index
    %swap3A_6 = arith.constant 0 : index
    %swap3A_7 = vector.load %arg4[%swap3A, %swap3A_6] : memref<10000x128xf32, #tpu.memory_space<vmem>>, vector<10000x128xf32>
    tpu.vector_store %arg4[%swap3A, %swap3A_6], %dot_general3A_5 {strides = array<i32>} : memref<10000x128xf32, #tpu.memory_space<vmem>>, vector<10000x128xf32>,
    %get3A_8 = arith.constant 0 : index
    %get3A_9 = arith.constant 0 : index
    %get3A_10 = vector.load %arg2[%get3A_8, %get3A_9] : memref<128x128xf32, #tpu.memory_space<vmem>>, vector<128x128xf32>
    %dot_general3A_11 = arith.constant dense<0.000000e+00> : vector<10000x128xf32>
    %dot_general3A_12 = tpu.matmul %get3A_1, %get3A_10, %dot_general3A_11 {dimension_numbers = #tpu.dot_dimension_numbers<[1], [0], [0], [1], [0, 0, 1, 1], [], []>, transpose_lhs_hint = false} : vector<10000x128xf32>, vector<128x128xf32>, vector<10000x128xf32> -> vector<10000x128xf32>
    %get3A_13 = arith.constant 0 : index
    %get3A_14 = arith.constant 0 : index
    %get3A_15 = vector.load %arg3[%get3A_13, %get3A_14] : memref<1x128xf32, #tpu.memory_space<vmem>>, vector<1x128xf32>
    %add3A = vector.broadcast %get3A_15 : vector<1x128xf32> to vector<10000x128xf32>
    %add3A_16 = arith.addf %dot_general3A_12, %add3A : vector<10000x128xf32>
    %swap3A_17 = arith.constant 0 : index
    %swap3A_18 = arith.constant 0 : index
    %swap3A_19 = vector.load %arg5[%swap3A_17, %swap3A_18] : memref<10000x128xf32, #tpu.memory_space<vmem>>, vector<10000x128xf32>
    tpu.vector_store %arg5[%swap3A_17, %swap3A_18], %add3A_16 {strides = array<i32>} : memref<10000x128xf32, #tpu.memory_space<vmem>>, vector<10000x128xf32>,
    return
  }
}

module attributes {stable_mosaic.version = 14 : i64} {
  func.func @_post_pre_body(%arg0: memref<2x10112x128xf32, #tpu.memory_space<vmem>>, %arg1: memref<32x10240xf32, #tpu.memory_space<vmem>>, %arg2: memref<10000x128xf32, #tpu.memory_space<vmem>>, %arg3: memref<1x128xf32, #tpu.memory_space<vmem>>, %arg4: memref<1x128xf32, #tpu.memory_space<vmem>>, %arg5: memref<128x128xf32, #tpu.memory_space<vmem>>, %arg6: memref<128x128xf32, #tpu.memory_space<vmem>>, %arg7: memref<1x128xf32, #tpu.memory_space<vmem>>, %arg8: memref<10000x128xf32, #tpu.memory_space<vmem>>, %arg9: memref<10000x128xf32, #tpu.memory_space<vmem>>) attributes {dimension_semantics = [], scalar_prefetch = 0 : i64, scratch_operands = 0 : i64, tpu.core_type = #tpu.core_type<tc>} {
    %get3A = arith.constant 0 : index
    %get3A_0 = arith.constant 0 : index
    %get3A_1 = vector.load %arg1[%get3A, %get3A_0] : memref<32x10240xf32, #tpu.memory_space<vmem>>, vector<32x10240xf32>
    %broadcast_in_dim3A = arith.constant 1.000000e+00 : f32
    %broadcast_in_dim3A_2 = vector.broadcast %broadcast_in_dim3A : f32 to vector<32x1xf32>
    %dot_general3A = arith.constant dense<0.000000e+00> : vector<10240x1xf32>
    %dot_general3A_3 = tpu.matmul %get3A_1, %broadcast_in_dim3A_2, %dot_general3A {dimension_numbers = #tpu.dot_dimension_numbers<[0], [0], [1], [1], [0, 1, 1, 1], [], []>, transpose_lhs_hint = false} : vector<32x10240xf32>, vector<32x1xf32>, vector<10240x1xf32> -> vector<10240x1xf32>
    %slice3A = vector.extract_strided_slice %dot_general3A_3 {offsets = [0, 0], sizes = [10000, 1], strides = [1, 1]} : vector<10240x1xf32> to vector<10000x1xf32>
    %max3A = arith.constant 1.000000e+00 : f32
    %max3A_4 = vector.broadcast %max3A : f32 to vector<10000x1xf32>
    %max3A_5 = arith.maximumf %slice3A, %max3A_4 : vector<10000x1xf32>
    %get3A_6 = arith.constant 0 : index
    %get3A_7 = arith.constant 0 : index
    %get3A_8 = arith.constant 0 : index
    %get3A_9 = vector.load %arg0[%get3A_6, %get3A_7, %get3A_8] : memref<2x10112x128xf32, #tpu.memory_space<vmem>>, vector<1x10000x128xf32>
    %get3A_10 = vector.shape_cast %get3A_9 : vector<1x10000x128xf32> to vector<10000x128xf32>
    %get3A_11 = arith.constant 1 : index
    %get3A_12 = arith.constant 0 : index
    %get3A_13 = arith.constant 0 : index
    %get3A_14 = vector.load %arg0[%get3A_11, %get3A_12, %get3A_13] : memref<2x10112x128xf32, #tpu.memory_space<vmem>>, vector<1x10000x128xf32>
    %get3A_15 = vector.shape_cast %get3A_14 : vector<1x10000x128xf32> to vector<10000x128xf32>
    %add3A = arith.addf %get3A_10, %get3A_15 : vector<10000x128xf32>
    %div3A = vector.broadcast %max3A_5 : vector<10000x1xf32> to vector<10000x128xf32>
    %div3A_16 = arith.divf %add3A, %div3A : vector<10000x128xf32>
    %get3A_17 = arith.constant 0 : index
    %get3A_18 = arith.constant 0 : index
    %get3A_19 = vector.load %arg2[%get3A_17, %get3A_18] : memref<10000x128xf32, #tpu.memory_space<vmem>>, vector<10000x128xf32>
    %add3A_20 = arith.addf %div3A_16, %get3A_19 : vector<10000x128xf32>
    %reduce_sum3A = arith.constant dense<0.000000e+00> : vector<128xf32>
    %reduce_sum3A_21 = vector.multi_reduction <add>, %add3A_20, %reduce_sum3A [0] : vector<10000x128xf32> to vector<128xf32>
    %broadcast_in_dim3A_22 = vector.shape_cast %reduce_sum3A_21 : vector<128xf32> to vector<1x128xf32>
    %div3A_23 = arith.constant 1.000000e+04 : f32
    %div3A_24 = vector.broadcast %div3A_23 : f32 to vector<1x128xf32>
    %div3A_25 = arith.divf %broadcast_in_dim3A_22, %div3A_24 : vector<1x128xf32>
    %sub3A = vector.broadcast %div3A_25 : vector<1x128xf32> to vector<10000x128xf32>
    %sub3A_26 = arith.subf %add3A_20, %sub3A : vector<10000x128xf32>
    %integer_pow3A = arith.mulf %sub3A_26, %sub3A_26 : vector<10000x128xf32>
    %reduce_sum3A_27 = arith.constant dense<0.000000e+00> : vector<128xf32>
    %reduce_sum3A_28 = vector.multi_reduction <add>, %integer_pow3A, %reduce_sum3A_27 [0] : vector<10000x128xf32> to vector<128xf32>
    %broadcast_in_dim3A_29 = vector.shape_cast %reduce_sum3A_28 : vector<128xf32> to vector<1x128xf32>
    %div3A_30 = arith.constant 1.000000e+04 : f32
    %div3A_31 = vector.broadcast %div3A_30 : f32 to vector<1x128xf32>
    %div3A_32 = arith.divf %broadcast_in_dim3A_29, %div3A_31 : vector<1x128xf32>
    %get3A_33 = arith.constant 0 : index
    %get3A_34 = arith.constant 0 : index
    %get3A_35 = vector.load %arg3[%get3A_33, %get3A_34] : memref<1x128xf32, #tpu.memory_space<vmem>>, vector<1x128xf32>
    %sub3A_36 = vector.broadcast %div3A_25 : vector<1x128xf32> to vector<10000x128xf32>
    %sub3A_37 = arith.subf %add3A_20, %sub3A_36 : vector<10000x128xf32>
    %mul3A = vector.broadcast %get3A_35 : vector<1x128xf32> to vector<10000x128xf32>
    %mul3A_38 = arith.mulf %mul3A, %sub3A_37 : vector<10000x128xf32>
    %add3A_39 = arith.constant 9.99999974E-6 : f32
    %add3A_40 = vector.broadcast %add3A_39 : f32 to vector<1x128xf32>
    %add3A_41 = arith.addf %div3A_32, %add3A_40 : vector<1x128xf32>
    %sqrt3A = math.sqrt %add3A_41 : vector<1x128xf32>
    %div3A_42 = vector.broadcast %sqrt3A : vector<1x128xf32> to vector<10000x128xf32>
    %div3A_43 = arith.divf %mul3A_38, %div3A_42 : vector<10000x128xf32>
    %get3A_44 = arith.constant 0 : index
    %get3A_45 = arith.constant 0 : index
    %get3A_46 = vector.load %arg4[%get3A_44, %get3A_45] : memref<1x128xf32, #tpu.memory_space<vmem>>, vector<1x128xf32>
    %add3A_47 = vector.broadcast %get3A_46 : vector<1x128xf32> to vector<10000x128xf32>
    %add3A_48 = arith.addf %div3A_43, %add3A_47 : vector<10000x128xf32>
    %max3A_49 = arith.constant 0.000000e+00 : f32
    %max3A_50 = vector.broadcast %max3A_49 : f32 to vector<10000x128xf32>
    %max3A_51 = arith.maximumf %add3A_48, %max3A_50 : vector<10000x128xf32>
    %get3A_52 = arith.constant 0 : index
    %get3A_53 = arith.constant 0 : index
    %get3A_54 = vector.load %arg5[%get3A_52, %get3A_53] : memref<128x128xf32, #tpu.memory_space<vmem>>, vector<128x128xf32>
    %dot_general3A_55 = arith.constant dense<0.000000e+00> : vector<10000x128xf32>
    %dot_general3A_56 = tpu.matmul %max3A_51, %get3A_54, %dot_general3A_55 {dimension_numbers = #tpu.dot_dimension_numbers<[1], [0], [0], [1], [0, 0, 1, 1], [], []>, transpose_lhs_hint = false} : vector<10000x128xf32>, vector<128x128xf32>, vector<10000x128xf32> -> vector<10000x128xf32>
    %swap3A = arith.constant 0 : index
    %swap3A_57 = arith.constant 0 : index
    %swap3A_58 = vector.load %arg8[%swap3A, %swap3A_57] : memref<10000x128xf32, #tpu.memory_space<vmem>>, vector<10000x128xf32>
    tpu.vector_store %arg8[%swap3A, %swap3A_57], %dot_general3A_56 {strides = array<i32>} : memref<10000x128xf32, #tpu.memory_space<vmem>>, vector<10000x128xf32>,
    %get3A_59 = arith.constant 0 : index
    %get3A_60 = arith.constant 0 : index
    %get3A_61 = vector.load %arg6[%get3A_59, %get3A_60] : memref<128x128xf32, #tpu.memory_space<vmem>>, vector<128x128xf32>
    %dot_general3A_62 = arith.constant dense<0.000000e+00> : vector<10000x128xf32>
    %dot_general3A_63 = tpu.matmul %max3A_51, %get3A_61, %dot_general3A_62 {dimension_numbers = #tpu.dot_dimension_numbers<[1], [0], [0], [1], [0, 0, 1, 1], [], []>, transpose_lhs_hint = false} : vector<10000x128xf32>, vector<128x128xf32>, vector<10000x128xf32> -> vector<10000x128xf32>
    %get3A_64 = arith.constant 0 : index
    %get3A_65 = arith.constant 0 : index
    %get3A_66 = vector.load %arg7[%get3A_64, %get3A_65] : memref<1x128xf32, #tpu.memory_space<vmem>>, vector<1x128xf32>
    %add3A_67 = vector.broadcast %get3A_66 : vector<1x128xf32> to vector<10000x128xf32>
    %add3A_68 = arith.addf %dot_general3A_63, %add3A_67 : vector<10000x128xf32>
    %swap3A_69 = arith.constant 0 : index
    %swap3A_70 = arith.constant 0 : index
    %swap3A_71 = vector.load %arg9[%swap3A_69, %swap3A_70] : memref<10000x128xf32, #tpu.memory_space<vmem>>, vector<10000x128xf32>
    tpu.vector_store %arg9[%swap3A_69, %swap3A_70], %add3A_68 {strides = array<i32>} : memref<10000x128xf32, #tpu.memory_space<vmem>>, vector<10000x128xf32>,
    return
  }
}

module attributes {stable_mosaic.version = 14 : i64} {
  func.func @_post_pre_body(%arg0: memref<2x10112x128xf32, #tpu.memory_space<vmem>>, %arg1: memref<32x10240xf32, #tpu.memory_space<vmem>>, %arg2: memref<10000x128xf32, #tpu.memory_space<vmem>>, %arg3: memref<1x128xf32, #tpu.memory_space<vmem>>, %arg4: memref<1x128xf32, #tpu.memory_space<vmem>>, %arg5: memref<128x128xf32, #tpu.memory_space<vmem>>, %arg6: memref<128x64xf32, #tpu.memory_space<vmem>>, %arg7: memref<1x64xf32, #tpu.memory_space<vmem>>, %arg8: memref<10000x128xf32, #tpu.memory_space<vmem>>, %arg9: memref<10000x64xf32, #tpu.memory_space<vmem>>) attributes {dimension_semantics = [], scalar_prefetch = 0 : i64, scratch_operands = 0 : i64, tpu.core_type = #tpu.core_type<tc>} {
    %get3A = arith.constant 0 : index
    %get3A_0 = arith.constant 0 : index
    %get3A_1 = vector.load %arg1[%get3A, %get3A_0] : memref<32x10240xf32, #tpu.memory_space<vmem>>, vector<32x10240xf32>
    %broadcast_in_dim3A = arith.constant 1.000000e+00 : f32
    %broadcast_in_dim3A_2 = vector.broadcast %broadcast_in_dim3A : f32 to vector<32x1xf32>
    %dot_general3A = arith.constant dense<0.000000e+00> : vector<10240x1xf32>
    %dot_general3A_3 = tpu.matmul %get3A_1, %broadcast_in_dim3A_2, %dot_general3A {dimension_numbers = #tpu.dot_dimension_numbers<[0], [0], [1], [1], [0, 1, 1, 1], [], []>, transpose_lhs_hint = false} : vector<32x10240xf32>, vector<32x1xf32>, vector<10240x1xf32> -> vector<10240x1xf32>
    %slice3A = vector.extract_strided_slice %dot_general3A_3 {offsets = [0, 0], sizes = [10000, 1], strides = [1, 1]} : vector<10240x1xf32> to vector<10000x1xf32>
    %max3A = arith.constant 1.000000e+00 : f32
    %max3A_4 = vector.broadcast %max3A : f32 to vector<10000x1xf32>
    %max3A_5 = arith.maximumf %slice3A, %max3A_4 : vector<10000x1xf32>
    %get3A_6 = arith.constant 0 : index
    %get3A_7 = arith.constant 0 : index
    %get3A_8 = arith.constant 0 : index
    %get3A_9 = vector.load %arg0[%get3A_6, %get3A_7, %get3A_8] : memref<2x10112x128xf32, #tpu.memory_space<vmem>>, vector<1x10000x128xf32>
    %get3A_10 = vector.shape_cast %get3A_9 : vector<1x10000x128xf32> to vector<10000x128xf32>
    %get3A_11 = arith.constant 1 : index
    %get3A_12 = arith.constant 0 : index
    %get3A_13 = arith.constant 0 : index
    %get3A_14 = vector.load %arg0[%get3A_11, %get3A_12, %get3A_13] : memref<2x10112x128xf32, #tpu.memory_space<vmem>>, vector<1x10000x128xf32>
    %get3A_15 = vector.shape_cast %get3A_14 : vector<1x10000x128xf32> to vector<10000x128xf32>
    %add3A = arith.addf %get3A_10, %get3A_15 : vector<10000x128xf32>
    %div3A = vector.broadcast %max3A_5 : vector<10000x1xf32> to vector<10000x128xf32>
    %div3A_16 = arith.divf %add3A, %div3A : vector<10000x128xf32>
    %get3A_17 = arith.constant 0 : index
    %get3A_18 = arith.constant 0 : index
    %get3A_19 = vector.load %arg2[%get3A_17, %get3A_18] : memref<10000x128xf32, #tpu.memory_space<vmem>>, vector<10000x128xf32>
    %add3A_20 = arith.addf %div3A_16, %get3A_19 : vector<10000x128xf32>
    %reduce_sum3A = arith.constant dense<0.000000e+00> : vector<128xf32>
    %reduce_sum3A_21 = vector.multi_reduction <add>, %add3A_20, %reduce_sum3A [0] : vector<10000x128xf32> to vector<128xf32>
    %broadcast_in_dim3A_22 = vector.shape_cast %reduce_sum3A_21 : vector<128xf32> to vector<1x128xf32>
    %div3A_23 = arith.constant 1.000000e+04 : f32
    %div3A_24 = vector.broadcast %div3A_23 : f32 to vector<1x128xf32>
    %div3A_25 = arith.divf %broadcast_in_dim3A_22, %div3A_24 : vector<1x128xf32>
    %sub3A = vector.broadcast %div3A_25 : vector<1x128xf32> to vector<10000x128xf32>
    %sub3A_26 = arith.subf %add3A_20, %sub3A : vector<10000x128xf32>
    %integer_pow3A = arith.mulf %sub3A_26, %sub3A_26 : vector<10000x128xf32>
    %reduce_sum3A_27 = arith.constant dense<0.000000e+00> : vector<128xf32>
    %reduce_sum3A_28 = vector.multi_reduction <add>, %integer_pow3A, %reduce_sum3A_27 [0] : vector<10000x128xf32> to vector<128xf32>
    %broadcast_in_dim3A_29 = vector.shape_cast %reduce_sum3A_28 : vector<128xf32> to vector<1x128xf32>
    %div3A_30 = arith.constant 1.000000e+04 : f32
    %div3A_31 = vector.broadcast %div3A_30 : f32 to vector<1x128xf32>
    %div3A_32 = arith.divf %broadcast_in_dim3A_29, %div3A_31 : vector<1x128xf32>
    %get3A_33 = arith.constant 0 : index
    %get3A_34 = arith.constant 0 : index
    %get3A_35 = vector.load %arg3[%get3A_33, %get3A_34] : memref<1x128xf32, #tpu.memory_space<vmem>>, vector<1x128xf32>
    %sub3A_36 = vector.broadcast %div3A_25 : vector<1x128xf32> to vector<10000x128xf32>
    %sub3A_37 = arith.subf %add3A_20, %sub3A_36 : vector<10000x128xf32>
    %mul3A = vector.broadcast %get3A_35 : vector<1x128xf32> to vector<10000x128xf32>
    %mul3A_38 = arith.mulf %mul3A, %sub3A_37 : vector<10000x128xf32>
    %add3A_39 = arith.constant 9.99999974E-6 : f32
    %add3A_40 = vector.broadcast %add3A_39 : f32 to vector<1x128xf32>
    %add3A_41 = arith.addf %div3A_32, %add3A_40 : vector<1x128xf32>
    %sqrt3A = math.sqrt %add3A_41 : vector<1x128xf32>
    %div3A_42 = vector.broadcast %sqrt3A : vector<1x128xf32> to vector<10000x128xf32>
    %div3A_43 = arith.divf %mul3A_38, %div3A_42 : vector<10000x128xf32>
    %get3A_44 = arith.constant 0 : index
    %get3A_45 = arith.constant 0 : index
    %get3A_46 = vector.load %arg4[%get3A_44, %get3A_45] : memref<1x128xf32, #tpu.memory_space<vmem>>, vector<1x128xf32>
    %add3A_47 = vector.broadcast %get3A_46 : vector<1x128xf32> to vector<10000x128xf32>
    %add3A_48 = arith.addf %div3A_43, %add3A_47 : vector<10000x128xf32>
    %max3A_49 = arith.constant 0.000000e+00 : f32
    %max3A_50 = vector.broadcast %max3A_49 : f32 to vector<10000x128xf32>
    %max3A_51 = arith.maximumf %add3A_48, %max3A_50 : vector<10000x128xf32>
    %get3A_52 = arith.constant 0 : index
    %get3A_53 = arith.constant 0 : index
    %get3A_54 = vector.load %arg5[%get3A_52, %get3A_53] : memref<128x128xf32, #tpu.memory_space<vmem>>, vector<128x128xf32>
    %dot_general3A_55 = arith.constant dense<0.000000e+00> : vector<10000x128xf32>
    %dot_general3A_56 = tpu.matmul %max3A_51, %get3A_54, %dot_general3A_55 {dimension_numbers = #tpu.dot_dimension_numbers<[1], [0], [0], [1], [0, 0, 1, 1], [], []>, transpose_lhs_hint = false} : vector<10000x128xf32>, vector<128x128xf32>, vector<10000x128xf32> -> vector<10000x128xf32>
    %swap3A = arith.constant 0 : index
    %swap3A_57 = arith.constant 0 : index
    %swap3A_58 = vector.load %arg8[%swap3A, %swap3A_57] : memref<10000x128xf32, #tpu.memory_space<vmem>>, vector<10000x128xf32>
    tpu.vector_store %arg8[%swap3A, %swap3A_57], %dot_general3A_56 {strides = array<i32>} : memref<10000x128xf32, #tpu.memory_space<vmem>>, vector<10000x128xf32>,
    %get3A_59 = arith.constant 0 : index
    %get3A_60 = arith.constant 0 : index
    %get3A_61 = vector.load %arg6[%get3A_59, %get3A_60] : memref<128x64xf32, #tpu.memory_space<vmem>>, vector<128x64xf32>
    %dot_general3A_62 = arith.constant dense<0.000000e+00> : vector<10000x64xf32>
    %dot_general3A_63 = tpu.matmul %max3A_51, %get3A_61, %dot_general3A_62 {dimension_numbers = #tpu.dot_dimension_numbers<[1], [0], [0], [1], [0, 0, 1, 1], [], []>, transpose_lhs_hint = false} : vector<10000x128xf32>, vector<128x64xf32>, vector<10000x64xf32> -> vector<10000x64xf32>
    %get3A_64 = arith.constant 0 : index
    %get3A_65 = arith.constant 0 : index
    %get3A_66 = vector.load %arg7[%get3A_64, %get3A_65] : memref<1x64xf32, #tpu.memory_space<vmem>>, vector<1x64xf32>
    %add3A_67 = vector.broadcast %get3A_66 : vector<1x64xf32> to vector<10000x64xf32>
    %add3A_68 = arith.addf %dot_general3A_63, %add3A_67 : vector<10000x64xf32>
    %swap3A_69 = arith.constant 0 : index
    %swap3A_70 = arith.constant 0 : index
    %swap3A_71 = vector.load %arg9[%swap3A_69, %swap3A_70] : memref<10000x64xf32, #tpu.memory_space<vmem>>, vector<10000x64xf32>
    tpu.vector_store %arg9[%swap3A_69, %swap3A_70], %add3A_68 {strides = array<i32>} : memref<10000x64xf32, #tpu.memory_space<vmem>>, vector<10000x64xf32>,
    return
  }
}

module attributes {stable_mosaic.version = 14 : i64} {
  func.func @_k_last(%arg0: memref<2x10112x128xf32, #tpu.memory_space<vmem>>, %arg1: memref<32x10240xf32, #tpu.memory_space<vmem>>, %arg2: memref<10000x64xf32, #tpu.memory_space<vmem>>, %arg3: memref<1x64xf32, #tpu.memory_space<vmem>>, %arg4: memref<1x64xf32, #tpu.memory_space<vmem>>, %arg5: memref<64x10xf32, #tpu.memory_space<vmem>>, %arg6: memref<1x10xf32, #tpu.memory_space<vmem>>, %arg7: memref<10000x10xf32, #tpu.memory_space<vmem>>) attributes {dimension_semantics = [], scalar_prefetch = 0 : i64, scratch_operands = 0 : i64, tpu.core_type = #tpu.core_type<tc>} {
    %get3A = arith.constant 0 : index
    %get3A_0 = arith.constant 0 : index
    %get3A_1 = vector.load %arg1[%get3A, %get3A_0] : memref<32x10240xf32, #tpu.memory_space<vmem>>, vector<32x10240xf32>
    %broadcast_in_dim3A = arith.constant 1.000000e+00 : f32
    %broadcast_in_dim3A_2 = vector.broadcast %broadcast_in_dim3A : f32 to vector<32x1xf32>
    %dot_general3A = arith.constant dense<0.000000e+00> : vector<10240x1xf32>
    %dot_general3A_3 = tpu.matmul %get3A_1, %broadcast_in_dim3A_2, %dot_general3A {dimension_numbers = #tpu.dot_dimension_numbers<[0], [0], [1], [1], [0, 1, 1, 1], [], []>, transpose_lhs_hint = false} : vector<32x10240xf32>, vector<32x1xf32>, vector<10240x1xf32> -> vector<10240x1xf32>
    %slice3A = vector.extract_strided_slice %dot_general3A_3 {offsets = [0, 0], sizes = [10000, 1], strides = [1, 1]} : vector<10240x1xf32> to vector<10000x1xf32>
    %max3A = arith.constant 1.000000e+00 : f32
    %max3A_4 = vector.broadcast %max3A : f32 to vector<10000x1xf32>
    %max3A_5 = arith.maximumf %slice3A, %max3A_4 : vector<10000x1xf32>
    %get3A_6 = arith.constant 0 : index
    %get3A_7 = arith.constant 0 : index
    %get3A_8 = arith.constant 0 : index
    %get3A_9 = vector.load %arg0[%get3A_6, %get3A_7, %get3A_8] : memref<2x10112x128xf32, #tpu.memory_space<vmem>>, vector<1x10000x64xf32>
    %get3A_10 = vector.shape_cast %get3A_9 : vector<1x10000x64xf32> to vector<10000x64xf32>
    %get3A_11 = arith.constant 1 : index
    %get3A_12 = arith.constant 0 : index
    %get3A_13 = arith.constant 0 : index
    %get3A_14 = vector.load %arg0[%get3A_11, %get3A_12, %get3A_13] : memref<2x10112x128xf32, #tpu.memory_space<vmem>>, vector<1x10000x64xf32>
    %get3A_15 = vector.shape_cast %get3A_14 : vector<1x10000x64xf32> to vector<10000x64xf32>
    %add3A = arith.addf %get3A_10, %get3A_15 : vector<10000x64xf32>
    %div3A = vector.broadcast %max3A_5 : vector<10000x1xf32> to vector<10000x64xf32>
    %div3A_16 = arith.divf %add3A, %div3A : vector<10000x64xf32>
    %get3A_17 = arith.constant 0 : index
    %get3A_18 = arith.constant 0 : index
    %get3A_19 = vector.load %arg2[%get3A_17, %get3A_18] : memref<10000x64xf32, #tpu.memory_space<vmem>>, vector<10000x64xf32>
    %add3A_20 = arith.addf %div3A_16, %get3A_19 : vector<10000x64xf32>
    %reduce_sum3A = arith.constant dense<0.000000e+00> : vector<64xf32>
    %reduce_sum3A_21 = vector.multi_reduction <add>, %add3A_20, %reduce_sum3A [0] : vector<10000x64xf32> to vector<64xf32>
    %broadcast_in_dim3A_22 = vector.shape_cast %reduce_sum3A_21 : vector<64xf32> to vector<1x64xf32>
    %div3A_23 = arith.constant 1.000000e+04 : f32
    %div3A_24 = vector.broadcast %div3A_23 : f32 to vector<1x64xf32>
    %div3A_25 = arith.divf %broadcast_in_dim3A_22, %div3A_24 : vector<1x64xf32>
    %sub3A = vector.broadcast %div3A_25 : vector<1x64xf32> to vector<10000x64xf32>
    %sub3A_26 = arith.subf %add3A_20, %sub3A : vector<10000x64xf32>
    %integer_pow3A = arith.mulf %sub3A_26, %sub3A_26 : vector<10000x64xf32>
    %reduce_sum3A_27 = arith.constant dense<0.000000e+00> : vector<64xf32>
    %reduce_sum3A_28 = vector.multi_reduction <add>, %integer_pow3A, %reduce_sum3A_27 [0] : vector<10000x64xf32> to vector<64xf32>
    %broadcast_in_dim3A_29 = vector.shape_cast %reduce_sum3A_28 : vector<64xf32> to vector<1x64xf32>
    %div3A_30 = arith.constant 1.000000e+04 : f32
    %div3A_31 = vector.broadcast %div3A_30 : f32 to vector<1x64xf32>
    %div3A_32 = arith.divf %broadcast_in_dim3A_29, %div3A_31 : vector<1x64xf32>
    %get3A_33 = arith.constant 0 : index
    %get3A_34 = arith.constant 0 : index
    %get3A_35 = vector.load %arg3[%get3A_33, %get3A_34] : memref<1x64xf32, #tpu.memory_space<vmem>>, vector<1x64xf32>
    %sub3A_36 = vector.broadcast %div3A_25 : vector<1x64xf32> to vector<10000x64xf32>
    %sub3A_37 = arith.subf %add3A_20, %sub3A_36 : vector<10000x64xf32>
    %mul3A = vector.broadcast %get3A_35 : vector<1x64xf32> to vector<10000x64xf32>
    %mul3A_38 = arith.mulf %mul3A, %sub3A_37 : vector<10000x64xf32>
    %add3A_39 = arith.constant 9.99999974E-6 : f32
    %add3A_40 = vector.broadcast %add3A_39 : f32 to vector<1x64xf32>
    %add3A_41 = arith.addf %div3A_32, %add3A_40 : vector<1x64xf32>
    %sqrt3A = math.sqrt %add3A_41 : vector<1x64xf32>
    %div3A_42 = vector.broadcast %sqrt3A : vector<1x64xf32> to vector<10000x64xf32>
    %div3A_43 = arith.divf %mul3A_38, %div3A_42 : vector<10000x64xf32>
    %get3A_44 = arith.constant 0 : index
    %get3A_45 = arith.constant 0 : index
    %get3A_46 = vector.load %arg4[%get3A_44, %get3A_45] : memref<1x64xf32, #tpu.memory_space<vmem>>, vector<1x64xf32>
    %add3A_47 = vector.broadcast %get3A_46 : vector<1x64xf32> to vector<10000x64xf32>
    %add3A_48 = arith.addf %div3A_43, %add3A_47 : vector<10000x64xf32>
    %max3A_49 = arith.constant 0.000000e+00 : f32
    %max3A_50 = vector.broadcast %max3A_49 : f32 to vector<10000x64xf32>
    %max3A_51 = arith.maximumf %add3A_48, %max3A_50 : vector<10000x64xf32>
    %get3A_52 = arith.constant 0 : index
    %get3A_53 = arith.constant 0 : index
    %get3A_54 = vector.load %arg5[%get3A_52, %get3A_53] : memref<64x10xf32, #tpu.memory_space<vmem>>, vector<64x10xf32>
    %dot_general3A_55 = arith.constant dense<0.000000e+00> : vector<10000x10xf32>
    %dot_general3A_56 = tpu.matmul %max3A_51, %get3A_54, %dot_general3A_55 {dimension_numbers = #tpu.dot_dimension_numbers<[1], [0], [0], [1], [0, 0, 1, 1], [], []>, transpose_lhs_hint = false} : vector<10000x64xf32>, vector<64x10xf32>, vector<10000x10xf32> -> vector<10000x10xf32>
    %get3A_57 = arith.constant 0 : index
    %get3A_58 = arith.constant 0 : index
    %get3A_59 = vector.load %arg6[%get3A_57, %get3A_58] : memref<1x10xf32, #tpu.memory_space<vmem>>, vector<1x10xf32>
    %add3A_60 = vector.broadcast %get3A_59 : vector<1x10xf32> to vector<10000x10xf32>
    %add3A_61 = arith.addf %dot_general3A_56, %add3A_60 : vector<10000x10xf32>
    %swap3A = arith.constant 0 : index
    %swap3A_62 = arith.constant 0 : index
    %swap3A_63 = vector.load %arg7[%swap3A, %swap3A_62] : memref<10000x10xf32, #tpu.memory_space<vmem>>, vector<10000x10xf32>
    tpu.vector_store %arg7[%swap3A, %swap3A_62], %add3A_61 {strides = array<i32>} : memref<10000x10xf32, #tpu.memory_space<vmem>>, vector<10000x10xf32>,
    return
  }
}

</mosaic_0001>

<sc_bundles>
// kernel: kernel.12.cloned.1.call-start
scs
__scs_entry_jumppad:
0x0: {  	(pc) =	sbr.rel $0x88, $3  }
0x1: {  	(tag) =	ssettag $0x0;
	lr =	simm.s32 $0x1  }
0x2: {  	[smem:$0x3F8E] =	sst lr;
	_ =	strace $0xD0000000  }
0x3: {  	_ = 	snop  }
0x4: {  	_ = 	snop  }
0x5: {  	_ = 	snop  }
0x6: {  	_ = 	snop  }
0x7: {  	_ = 	snop  }
__scs_overlays_trampoline_lowered:
0x8: {  	[smem:$0x3F9D] =	sst s0  }
0x9: {  	[smem:$0x3F9E] =	sst s1  }
0xa: {  	[smem:$0x3F9F] =	sst s2  }
0xb: {  	[smem:$0x3FA0] =	sst s3  }
0xc: {  	[smem:$0x3FA1] =	sst s4  }
0xd: {  	[smem:$0x3FA2] =	sst s5  }
0xe: {  	[smem:$0x3FA3] =	sst s6  }
0xf: {  	[smem:$0x3FA4] =	sst s7  }
0x10: {  	[smem:$0x3FA5] =	sst s8  }
0x11: {  	[smem:$0x3FA6] =	sst s9;
	s0 =	simm.s32 @!p0 $0x0  }
0x12: {  	s1 =	sld [smem:$0x3F8C];
	s0 =	simm.s32 @p0 $0x1  }
0x13: {  	[smem:$0x3FA7] =	sst s0;
	s0 =	simm.s32 @!p1 $0x0  }
0x14: {  	s2 =	sld [smem:$0x3F8B];
	s0 =	simm.s32 @p1 $0x1  }
0x15: {  	[smem:$0x3FA8] =	sst s0;
	s0 =	simm.s32 @!p2 $0x0  }
0x16: {  	s3 =	sld [smem:$0x3FDB];
	s0 =	simm.s32 @p2 $0x1  }
0x17: {  	s4 =	simm.s32 $0x1BF5;
	[smem:$0x3FAA] =	sst s0  }
0x18: {  	s0 =	sld [smem:$0x3F8D];
	_ =	swait.ge [sflag:s4], $0x0  }
0x19: {  	s7 =	sld [smem:$0x3F8E]  }
0x1a: {  	s8 =	sadd.s32 $0xFFFFE003, lr  }
0x1b: {  	s9 =	sadd.s32 $0xFFFFFEF7, lr;
	s5 =	simm.s32 $0xFFFFFFFF;
	p2 =	slt.u32 s8, $0xFFFFF086  }
0x1c: {  	p1 =	slt.u32 s9, $0xF7A;
	s5 =	simm.s32 @!p2 $0x0  }
0x1d: {  	s5 =	simm.s32 @p1 $0x1;
	p0 =	seq.s32 s7, s2  }
0x1e: {  	s7 =	smul.u32 @!p0 $0xF7A, s2;
	p2 =	seq.s32 @!p0 s5, $0x0  }
0x1f: {  	s9 =	smul.u32 $0xF7A, s1;
	s8 =	simm.s32 @!p0 $0x1BF5;
	p2 =	por !p2, p0  }
0x20: {  	[sflag:s8] =	ssyncset.s32 @!p0 $0xFFFFF086;
	s6 =	sadd.s32 @!p0 s3, s7;
	s7 =	simm.s32 @!p0 $0x108  }
0x21: {  	s3 =	sadd.s32 s3, s9;
	s6 =	sadd.s32 @!p0 $0x88, s6;
	s7 =	simm.s32 @p2 $0x1082  }
0x22: {  	[simem:s7], [sflag:s8] =	dma.local @!p0 [hbm:s6], $0xF7A  }
0x23: {  	s9 =	sor.u32 $0xD0000000, s2;
	s6 =	simm.s32 $0x108;
	_ =	swait.ge @!p0 [sflag:s8], $0x0  }
0x24: {  	s3 =	sadd.s32 $0x88, s3;
	s6 =	simm.s32 @!p1 $0x1082;
	[sflag:s4] =	ssyncset.s32 $0xFFFFF086  }
0x25: {  	[simem:s6], [sflag:s4] =	dma.local [hbm:s3], $0xF7A  }
0x26: {  	[smem:$0x3F8E] =	sst s1;
	(tag) =	ssettag s2;
	_ =	strace s9  }
0x27: {  	s1 =	sld [smem:$0x3F9E]  }
0x28: {  	s2 =	sld [smem:$0x3F9F]  }
0x29: {  	s4 =	sld [smem:$0x3FA1]  }
0x2a: {  	p0 =	seq.s32 s5, $0x0;
	s5 =	sld [smem:$0x3FA2]  }
0x2b: {  	s6 =	sld [smem:$0x3FA3]  }
0x2c: {  	s7 =	sld [smem:$0x3FA4]  }
0x2d: {  	s3 =	simm.s32 $0x108;
	s8 =	sld [smem:$0x3FA5]  }
0x2e: {  	s3 =	simm.s32 @!p0 $0x1082;
	s9 =	sld [smem:$0x3FA6]  }
0x2f: {  	lr =	sadd.s32 s0, s3;
	s0 =	sld [smem:$0x3F9D]  }
0x30: {  	s3 =	sld [smem:$0x3FA0]  }
0x31: {  	[smem:$0x3FA9] =	sst s10  }
0x32: {  	s10 =	sld [smem:$0x3FA7];
	_ =	sdelay $0x3  }
0x33: {  	p0 =	seq.s32 s10, $0x1;
	s10 =	sld [smem:$0x3FA9];
	_ =	sdelay $0x3  }
0x34: {  	[smem:$0x3FA9] =	sst s10  }
0x35: {  	s10 =	sld [smem:$0x3FA8];
	_ =	sdelay $0x3  }
0x36: {  	p1 =	seq.s32 s10, $0x1;
	s10 =	sld [smem:$0x3FA9];
	_ =	sdelay $0x3  }
0x37: {  	[smem:$0x3FA9] =	sst s10  }
0x38: {  	s10 =	sld [smem:$0x3FAA]  }
0x39: {  	_ = 	snop;
	(pc) =	sbr.ind lr, $3  }
0x3a: {  	_ = 	snop  }
0x3b: {  	_ = 	snop  }
0x3c: {  	p2 =	seq.s32 s10, $0x1;
	s10 =	sld [smem:$0x3FA9]  }
0x3d: {  	_ =	shalt  }
0x3e: {  	_ =	shalt  }
0x3f: {  	_ =	shalt  }
0x40: {  	_ =	shalt  }
0x41: {  	_ =	shalt  }
0x42: {  	_ =	shalt  }
0x43: {  	_ =	shalt  }
0x44: {  	_ =	shalt  }
0x45: {  	_ =	shalt  }
0x46: {  	_ =	shalt  }
0x47: {  	_ =	shalt  }
0x48: {  	_ =	shalt  }
0x49: {  	_ =	shalt  }
0x4a: {  	_ =	shalt  }
0x4b: {  	_ =	shalt  }
0x4c: {  	_ =	shalt  }
0x4d: {  	_ =	shalt  }
0x4e: {  	_ =	shalt  }
0x4f: {  	_ =	shalt  }
0x50: {  	_ =	shalt  }
0x51: {  	_ =	shalt  }
0x52: {  	_ =	shalt  }
0x53: {  	_ =	shalt  }
0x54: {  	_ =	shalt  }
0x55: {  	_ =	shalt  }
0x56: {  	_ =	shalt  }
0x57: {  	_ =	shalt  }
0x58: {  	_ =	shalt  }
0x59: {  	_ =	shalt  }
0x5a: {  	_ =	shalt  }
0x5b: {  	_ =	shalt  }
0x5c: {  	_ =	shalt  }
0x5d: {  	_ =	shalt  }
0x5e: {  	_ =	shalt  }
0x5f: {  	_ =	shalt  }
0x60: {  	_ =	shalt  }
0x61: {  	_ =	shalt  }
0x62: {  	_ =	shalt  }
0x63: {  	_ =	shalt  }
0x64: {  	_ =	shalt  }
0x65: {  	_ =	shalt  }
0x66: {  	_ =	shalt  }
0x67: {  	_ =	shalt  }
0x68: {  	_ =	shalt  }
0x69: {  	_ =	shalt  }
0x6a: {  	_ =	shalt  }
0x6b: {  	_ =	shalt  }
0x6c: {  	_ =	shalt  }
0x6d: {  	_ =	shalt  }
0x6e: {  	_ =	shalt  }
0x6f: {  	_ =	shalt  }
0x70: {  	_ =	shalt  }
0x71: {  	_ =	shalt  }
0x72: {  	_ =	shalt  }
0x73: {  	_ =	shalt  }
0x74: {  	_ =	shalt  }
0x75: {  	_ =	shalt  }
0x76: {  	_ =	shalt  }
0x77: {  	_ =	shalt  }
0x78: {  	_ =	shalt  }
0x79: {  	_ =	shalt  }
0x7a: {  	_ =	shalt  }
0x7b: {  	_ =	shalt  }
0x7c: {  	_ =	shalt  }
0x7d: {  	_ =	shalt  }
0x7e: {  	_ =	shalt  }
0x7f: {  	_ =	shalt  }
0x80: {  	_ =	shalt  }
0x81: {  	_ =	shalt  }
0x82: {  	_ =	shalt  }
0x83: {  	_ =	shalt  }
0x84: {  	_ =	shalt  }
0x85: {  	_ =	shalt  }
0x86: {  	_ =	shalt  }
0x87: {  	_ =	shalt  }
.Lfunc_end0:
.L_simem_size_0:
called_computation.1_lowered:
.L_overlay_start_0:
0x88: {  	s2 =	sld [smem:$0x3FD9]  }
0x89: {  	s3 =	sld [smem:$0x3FFE];
	_ =	sdelay $0x1  }
0x8a: {  	s1 =	srdreg.scid  }
0x8b: {  	s0 =	sand.u32 $0x1, s1  }
0x8c: {  	s16 =	sshll.u32 s0, $0xA;
	s2 =	sadd.s32 s3, s2  }
0x8d: {  	s2 =	sadd.s32 s2, s16  }
0x8e: {  	[smem:$0x3FB5] =	sst s2  }
0x8f: {  	_ = 	snop  }
0x90: {  	(tm) =	ssettm $0x1  }
0x91: {  	s17 =	sld [smem:$0x3FFB];
	_ =	sdelay $0x3  }
0x92: {  	_ =	strace s17  }
0x93: {  	s2 =	sld [smem:$0x3FFC];
	_ =	sdelay $0x3  }
0x94: {  	_ =	strace s2  }
0x95: {  	s2 =	sld [smem:$0x3FFD];
	_ =	sdelay $0x3  }
0x96: {  	_ =	strace s2  }
0x97: {  	_ =	strace $0x8FFFFFFF  }
0x98: {  	s18 =	sld [smem:$0x3FDB];
	_ =	sdelay $0x1  }
0x99: {  	s19 =	simm.s32 $_scs_section_size  }
0x9a: {  	s4 =	simm.s32 $_size__tile_overlayer_lowered;
	s5 =	simm.s32 $_tile_overlayer_lowered  }
0x9b: {  	s22 =	simm.s32 $0x1BFF;
	s21 =	sshll.u32 s5, $0x1;
	s2 =	sadd.s32 s19, s18  }
0x9c: {  	s6 =	simm.s32 $0x0;
	s20 =	sshll.u32 s4, $0x1;
	s4 =	sadd.s32 s21, s2  }
0x9d: {  	[timem:s6], [sflag:s22] =	dma.local [hbm:s4], s20  }
0x9e: {  	_ =	swait.ge [sflag:s22], s20  }
0x9f: {  	s3 =	ssub.s32 $0x0, s20;
	[sflag:s22] =	ssyncset.done $0x0  }
0xa0: {  	[sflag:s22] =	ssyncadd.s32 s3;
	_ =	sdelay $0x1  }
0xa1: {  	s23 =	simm.s32 $0x1B8B  }
0xa2: {  	_ =	swait.ge [sflag:s23], $0x1  }
0xa3: {  	[sflag:s23] =	ssyncset.done $0x0  }
0xa4: {  	s25 =	simm.s32 $0x1B8E;
	s24 =	sld [smem:$0x3FFE];
	[sflag:s23] =	ssyncadd.s32 $0xFFFFFFFF  }
0xa5: {  	s26 =	simm.s32 $execute0_lowered;
	[smem:$0x3FD2] =	sst s25  }
0xa6: {  	s4 =	sshll.u32 s26, $0x1;
	_ =	strace $0x80000049;
	[dreg:$0x1] =	wrdreg $0xFFFFFFFF  }
0xa7: {  	s28 =	simm.s32 $_size_execute0_lowered;
	s2 =	sadd.s32 s2, s4;
	[dreg:$0x0] =	wrdreg $0x0  }
0xa8: {  	s4 =	sshll.u32 s28, $0x1;
	[dreg:$0x2] =	wrdreg s2  }
0xa9: {  	[dreg:$0x3] =	wrdreg s4  }
0xaa: {  	[dreg:$0x4] =	wrdreg $0xC0  }
0xab: {  	_ =	task [dreg:s6], $0x5FFFF  }
0xac: {  	[dreg:$0x1] =	wrdreg $0xFFFFFFFF  }
0xad: {  	[dreg:$0x0] =	wrdreg $0x60  }
0xae: {  	[dreg:$0x2] =	wrdreg s24  }
0xaf: {  	[dreg:$0x3] =	wrdreg $0xB8000  }
0xb0: {  	[dreg:$0x4] =	wrdreg $0x9  }
0xb1: {  	_ =	task.clear_ibuf [dreg:s6], $0x5FFFF;
	_ =	strace $0x90000049  }
0xb2: {  	s29 =	simm.s32 $0x9;
	_ =	strace $0x8000004B  }
0xb3: {  	_ =	swait.ge [sflag:s29], $0x1  }
0xb4: {  	[sflag:s29] =	ssyncadd.s32 $0xFFFFFFFF  }
0xb5: {  	_ =	strace $0x9000004B  }
0xb6: {  	_ =	sfence  }
0xb7: {  	s30 =	sld [smem:$0x0];
	_ =	sdelay $0x2  }
0xb8: {  	s31 =	sshll.u32 s1, $0xD;
	s1 =	sshrl.u32 s1, $0x2  }
0xb9: {  	s3 =	sand.u32 $0x4000, s31;
	s1 =	sadd.s32 s1, s30  }
0xba: {  	s0 =	sor.u32 s3, s0;
	s1 =	sshll.u32 s1, $0x11  }
0xbb: {  	s0 =	sor.u32 s1, s0  }
0xbc: {  	s0 =	sadd.s32 $0x8F2B, s0  }
0xbd: {  	[sflag:s0] =	ssyncadd.remote.s32 $0x1  }
0xbe: {  	_ =	sfence.sel $0xFFFF  }
0xbf: {  	[dreg:$0x0] =	wrdreg $0xFFFFFFFF;
	(pc) =	sbr.abs _section_cstart, $3  }
0xc0: {  	[dreg:$0x1] =	wrdreg $0xFFFFFFFF  }
0xc1: {  	_ =	task.clear_ibuf [dreg:s6], $0x2FFFF;
	_ =	strace $0x9FFFFFFF  }
0xc2: {  	(tm) =	ssettm $0x7FFFFFFF  }
0xc3: {  	_ =	shalt  }
tec
execute0_lowered:
.L_overlay_start_1:
0x0: {  	(tag) =	ssettag $0x1  }
0x1: {  	s6 =	rddreg [dreg:$0x0];
	s1 =	srdreg.scid  }
0x2: {  	s0 =	stileid.u32;
	s2 =	rddreg [dreg:$0x1]  }
0x3: {  	s3 =	simm.s32 $0x0;
	s17 =	simm.s32 $0x80;
	s8 =	smul.u32 $0x13C00, s0  }
0x4: {  	s18 =	simm.s32 $0x5000;
	s19 =	simm.s32 $0x0;
	s11 =	smul.u32 $0x2800, s0  }
0x5: {  	s7 =	sand.u32 $0x1, s1;
	s1 =	rddreg [dreg:$0x2];
	s12 =	smul.u32 $0x4F000, s0  }
0x6: {  	[smem:$0x7FF] =	sst s3;
	s4 =	sadd.s32 $0x18800, s6;
	s9 =	smul.u32 $0x13C000, s7  }
0x7: {  	s5 =	sadd.s32 $0x3FA00, s6;
	s10 =	smul.u32 $0x28000, s7;
	s7 =	ssub.s32 $0x2, s7  }
0x8: {  	s31 =	sshll.u32 s0, $0x6;
	_ =	strace $0x8000004A;
	s28 =	sshrl.u32 s7, $0x1  }
0x9: {  	s29 =	sshrl.u32 s12, $0x2;
	s30 =	sshrl.u32 s8, $0x3;
	s9 =	sadd.s32 s8, s9  }
0xa: {  	s10 =	sadd.s32 s11, s10;
	s15 =	ssub.s32 s7, s28;
	s16 =	sadd.s32 s29, s2  }
0xb: {  	s7 =	sor.u32 $0x1C01, s31;
	s9 =	sshrl.u32 s9, $0x3;
	s10 =	sshrl.u32 s10, $0x3  }
0xc: {  	s12 =	smax.u32 s15, $0x1;
	s15 =	simm.s32 $0x9000;
	s14 =	sadd.s32 s10, s6  }
0xd: {  	s13 =	sadd.s32 s9, s6;
	s6 =	sadd.s32 s5, s30;
	s8 =	sadd.s32 $0x4800, s14  }
0xe: {  	s9 =	sadd.s32 $0xE800, s14;
	s10 =	sadd.s32 $0x71200, s13;
	s11 =	sadd.s32 $0x67200, s14  }
0xf: {  	v0 =	vimm.f32 $1.000000000e+00;
	s13 =	sshrl.u32 s16, $0x3;
	s14 =	simm.s32 $0x1;
	s16 =	simm.s32 $0x2800  }
.LBB2_1:
0x10: {  	[spmem:s13], [sflag:s7] =	dma.local [hbm:s6], $0x2780  }
0x11: {  	_ =	swait.ge [sflag:s14], $0x2780  }
0x12: {  	[sflag:s14] =	ssyncset.done $0x0  }
0x13: {  	[sflag:s14] =	ssyncadd.s32 $0xFFFFD880  }
0x14: {  	[tilespmem:s15], [sflag:$0x1] =	stream.linear.gather [hbm4b:s5+s3], $0x2800, $0x38;
	[tilespmem:$0x1F400] =	vst v63  }
0x15: {  	_ =	swait.ge [sflag:s14], $0x2800  }
0x16: {  	[sflag:s14] =	ssyncset.done $0x0  }
0x17: {  	[sflag:s14] =	ssyncadd.s32 $0xFFFFD800  }
0x18: {  	[tilespmem:s3], [sflag:$0x1] =	stream.linear.gather [hbm4b:s8+s3], $0x2780, $0x38;
	[tilespmem:$0x1F400] =	vst v63  }
0x19: {  	_ =	swait.ge [sflag:s14], $0x2780  }
0x1a: {  	[sflag:s14] =	ssyncset.done $0x0  }
0x1b: {  	[sflag:s14] =	ssyncadd.s32 $0xFFFFD880  }
0x1c: {  	[tilespmem:s16], [sflag:$0x1] =	stream.linear.gather [hbm4b:s9+s3], $0x2780, $0x38;
	[tilespmem:$0x1F400] =	vst v63  }
0x1d: {  	_ =	swait.ge [sflag:s14], $0x2780  }
0x1e: {  	[sflag:s14] =	ssyncset.done $0x0  }
0x1f: {  	[sflag:s14] =	ssyncadd.s32 $0xFFFFD880  }
0x20: {  	s20 =	simm.s32 $0x0;
	[bflag:$0x0] =	sbarrier.arrive $0xFFFF  }
.LBB2_2:
0x21: {  	s21 =	sshra.s32 s20, $0x2  }
0x22: {  	[tilespmem:s18], [sflag:$0x1] =	stream.indirect.gather [hbm4b:s4+s17], $0x80, s21, s17, $0xb8;
	[tilespmem:$0x1F400] =	vst v63  }
0x23: {  	_ =	swait.ge [sflag:s14], $0x4000  }
0x24: {  	[sflag:s14] =	ssyncset.done $0x0  }
0x25: {  	s22 =	sadd.s32 $0x2800, s21;
	[sflag:s14] =	ssyncadd.s32 $0xFFFFC000  }
0x26: {  	[spmem:s2] =	stream.indirect.scatter.add.f32 [tilespmem:s18], [sflag:$0x1], $0x80, s22, s17, $0xb8;
	[tilespmem:$0x1F400] =	vst v63  }
0x27: {  	_ =	swait.ge [sflag:s14], $0x4000  }
0x28: {  	[sflag:s14] =	ssyncset.done $0x0  }
0x29: {  	[sflag:s14] =	ssyncadd.s32 $0xFFFFC000  }
0x2a: {  	v1 =	vld [tilespmem:s21+$0x2800];
	_ =	sdelay $0x7  }
0x2b: {  	[tilespmem:v1+s15+$0x0] =	vst.idx.add.f32.msk $0xffff, v0  }
0x2c: {  	v1 =	vld [tilespmem:s21+$0x2810];
	_ =	sdelay $0x7  }
0x2d: {  	[tilespmem:v1+s15+$0x0] =	vst.idx.add.f32.msk $0xffff, v0  }
0x2e: {  	v1 =	vld [tilespmem:s21+$0x2820];
	_ =	sdelay $0x7  }
0x2f: {  	[tilespmem:v1+s15+$0x0] =	vst.idx.add.f32.msk $0xffff, v0  }
0x30: {  	v1 =	vld [tilespmem:s21+$0x2830];
	_ =	sdelay $0x7  }
0x31: {  	[tilespmem:v1+s15+$0x0] =	vst.idx.add.f32.msk $0xffff, v0  }
0x32: {  	v1 =	vld [tilespmem:s21+$0x2840];
	_ =	sdelay $0x7  }
0x33: {  	[tilespmem:v1+s15+$0x0] =	vst.idx.add.f32.msk $0xffff, v0  }
0x34: {  	v1 =	vld [tilespmem:s21+$0x2850];
	_ =	sdelay $0x7  }
0x35: {  	[tilespmem:v1+s15+$0x0] =	vst.idx.add.f32.msk $0xffff, v0  }
0x36: {  	v1 =	vld [tilespmem:s21+$0x2860];
	_ =	sdelay $0x7  }
0x37: {  	[tilespmem:v1+s15+$0x0] =	vst.idx.add.f32.msk $0xffff, v0  }
0x38: {  	v1 =	vld [tilespmem:s21+$0x2870];
	_ =	sdelay $0x2  }
0x39: {  	p0 =	sne.s32 s20, $0x9C00  }
.Ltmp0:
0x3a: {  	_ = 	snop;
	(pc) =	sbr.rel @p0 .LBB2_2-.Ltmp0, $2  }
0x3b: {  	_ =	sdelay $0x2  }
0x3c: {  	s20 =	sadd.s32 $0x200, s20;
	[tilespmem:v1+s15+$0x0] =	vst.idx.add.f32.msk $0xffff, v0  }
0x3d: {  	[bflag:$0x0] =	sbarrier.arrive $0xFFFF  }
0x3e: {  	[hbm:s10], [sflag:s7] =	dma.local [spmem:s13], $0x2780  }
0x3f: {  	s19 =	sadd.s32 $0x1, s19;
	_ =	swait.ge [sflag:s14], $0x2780  }
0x40: {  	p0 =	sne.s32 s19, s12;
	[sflag:s14] =	ssyncset.done $0x0  }
.Ltmp1:
0x41: {  	[sflag:s14] =	ssyncadd.s32 $0xFFFFD880;
	(pc) =	sbr.rel @p0 .LBB2_1-.Ltmp1, $4  }
0x42: {  	[hbm4b:s11+s3] =	stream.linear.scatter [tilespmem:s15], [sflag:$0x1], $0x2800, $0x38;
	[tilespmem:$0x1F400] =	vst v63  }
0x43: {  	_ =	swait.ge [sflag:s14], $0x2800  }
0x44: {  	[sflag:s14] =	ssyncset.done $0x0  }
0x45: {  	[sflag:s14] =	ssyncadd.s32 $0xFFFFD800  }
0x46: {  	_ =	sfence.sel $0x180000  }
0x47: {  	[bflag:$0x0] =	sbarrier.arrive $0xFFFF  }
0x48: {  	p0 =	sne.s32 s0, $0x0;
	_ =	strace $0x9000004A  }
0x49: {  	s0 =	sadd.s32 @!p0 $0x100000, s1;
	[bflag:$0x2] =	sbarrier.arrive $0xFFFF  }
0x4a: {  	[sflag:s0] =	ssyncadd.tile.s32 @!p0 $0x1;
	_ =	shalt  }
.Lfunc_end2:
_tile_overlayer_lowered:
.L_overlay_start_2:
0x4b: {  	(tag) =	ssettag $0x2  }
0x4c: {  	s0 =	rddreg [dreg:$0x0];
	s2 =	stileid.u32  }
0x4d: {  	s1 =	rddreg [dreg:$0x1];
	p0 =	sne.s32 s2, $0x0  }
0x4e: {  	s3 =	rddreg [dreg:$0x2];
	[bflag:$0x3] =	sbarrier.arrive $0xFFFF;
	s2 =	simm.s32 @!p0 $0x1C01  }
0x4f: {  	[timem:s3], [sflag:s2] =	dma.local @!p0 [hbm:s0], s1  }
0x50: {  	s0 =	simm.s32 @!p0 $0x1  }
0x51: {  	_ =	swait.ge @!p0 [sflag:s0], s1  }
0x52: {  	s1 =	ssub.s32 @!p0 $0x0, s1;
	[sflag:s0] =	ssyncset.done @!p0 $0x0  }
0x53: {  	[sflag:s0] =	ssyncadd.s32 @!p0 s1  }
0x54: {  	[bflag:$0x3] =	sbarrier.arrive $0xFFFF  }
0x55: {  	_ =	shalt  }

// kernel: kernel.15.cloned.1.call-start
scs
__scs_entry_jumppad:
0x0: {  	(pc) =	sbr.rel $0x88, $3  }
0x1: {  	(tag) =	ssettag $0x0;
	lr =	simm.s32 $0x1  }
0x2: {  	[smem:$0x3F8E] =	sst lr;
	_ =	strace $0xD0000000  }
0x3: {  	_ = 	snop  }
0x4: {  	_ = 	snop  }
0x5: {  	_ = 	snop  }
0x6: {  	_ = 	snop  }
0x7: {  	_ = 	snop  }
__scs_overlays_trampoline_lowered:
0x8: {  	[smem:$0x3F9D] =	sst s0  }
0x9: {  	[smem:$0x3F9E] =	sst s1  }
0xa: {  	[smem:$0x3F9F] =	sst s2  }
0xb: {  	[smem:$0x3FA0] =	sst s3  }
0xc: {  	[smem:$0x3FA1] =	sst s4  }
0xd: {  	[smem:$0x3FA2] =	sst s5  }
0xe: {  	[smem:$0x3FA3] =	sst s6  }
0xf: {  	[smem:$0x3FA4] =	sst s7  }
0x10: {  	[smem:$0x3FA5] =	sst s8  }
0x11: {  	[smem:$0x3FA6] =	sst s9;
	s0 =	simm.s32 @!p0 $0x0  }
0x12: {  	s1 =	sld [smem:$0x3F8C];
	s0 =	simm.s32 @p0 $0x1  }
0x13: {  	[smem:$0x3FA7] =	sst s0;
	s0 =	simm.s32 @!p1 $0x0  }
0x14: {  	s2 =	sld [smem:$0x3F8B];
	s0 =	simm.s32 @p1 $0x1  }
0x15: {  	[smem:$0x3FA8] =	sst s0;
	s0 =	simm.s32 @!p2 $0x0  }
0x16: {  	s3 =	sld [smem:$0x3FDB];
	s0 =	simm.s32 @p2 $0x1  }
0x17: {  	s4 =	simm.s32 $0x1BF5;
	[smem:$0x3FAA] =	sst s0  }
0x18: {  	s0 =	sld [smem:$0x3F8D];
	_ =	swait.ge [sflag:s4], $0x0  }
0x19: {  	s7 =	sld [smem:$0x3F8E]  }
0x1a: {  	s8 =	sadd.s32 $0xFFFFE003, lr  }
0x1b: {  	s9 =	sadd.s32 $0xFFFFFEF7, lr;
	s5 =	simm.s32 $0xFFFFFFFF;
	p2 =	slt.u32 s8, $0xFFFFF086  }
0x1c: {  	p1 =	slt.u32 s9, $0xF7A;
	s5 =	simm.s32 @!p2 $0x0  }
0x1d: {  	s5 =	simm.s32 @p1 $0x1;
	p0 =	seq.s32 s7, s2  }
0x1e: {  	s7 =	smul.u32 @!p0 $0xF7A, s2;
	p2 =	seq.s32 @!p0 s5, $0x0  }
0x1f: {  	s9 =	smul.u32 $0xF7A, s1;
	s8 =	simm.s32 @!p0 $0x1BF5;
	p2 =	por !p2, p0  }
0x20: {  	[sflag:s8] =	ssyncset.s32 @!p0 $0xFFFFF086;
	s6 =	sadd.s32 @!p0 s3, s7;
	s7 =	simm.s32 @!p0 $0x108  }
0x21: {  	s3 =	sadd.s32 s3, s9;
	s6 =	sadd.s32 @!p0 $0x88, s6;
	s7 =	simm.s32 @p2 $0x1082  }
0x22: {  	[simem:s7], [sflag:s8] =	dma.local @!p0 [hbm:s6], $0xF7A  }
0x23: {  	s9 =	sor.u32 $0xD0000000, s2;
	s6 =	simm.s32 $0x108;
	_ =	swait.ge @!p0 [sflag:s8], $0x0  }
0x24: {  	s3 =	sadd.s32 $0x88, s3;
	s6 =	simm.s32 @!p1 $0x1082;
	[sflag:s4] =	ssyncset.s32 $0xFFFFF086  }
0x25: {  	[simem:s6], [sflag:s4] =	dma.local [hbm:s3], $0xF7A  }
0x26: {  	[smem:$0x3F8E] =	sst s1;
	(tag) =	ssettag s2;
	_ =	strace s9  }
0x27: {  	s1 =	sld [smem:$0x3F9E]  }
0x28: {  	s2 =	sld [smem:$0x3F9F]  }
0x29: {  	s4 =	sld [smem:$0x3FA1]  }
0x2a: {  	p0 =	seq.s32 s5, $0x0;
	s5 =	sld [smem:$0x3FA2]  }
0x2b: {  	s6 =	sld [smem:$0x3FA3]  }
0x2c: {  	s7 =	sld [smem:$0x3FA4]  }
0x2d: {  	s3 =	simm.s32 $0x108;
	s8 =	sld [smem:$0x3FA5]  }
0x2e: {  	s3 =	simm.s32 @!p0 $0x1082;
	s9 =	sld [smem:$0x3FA6]  }
0x2f: {  	lr =	sadd.s32 s0, s3;
	s0 =	sld [smem:$0x3F9D]  }
0x30: {  	s3 =	sld [smem:$0x3FA0]  }
0x31: {  	[smem:$0x3FA9] =	sst s10  }
0x32: {  	s10 =	sld [smem:$0x3FA7];
	_ =	sdelay $0x3  }
0x33: {  	p0 =	seq.s32 s10, $0x1;
	s10 =	sld [smem:$0x3FA9];
	_ =	sdelay $0x3  }
0x34: {  	[smem:$0x3FA9] =	sst s10  }
0x35: {  	s10 =	sld [smem:$0x3FA8];
	_ =	sdelay $0x3  }
0x36: {  	p1 =	seq.s32 s10, $0x1;
	s10 =	sld [smem:$0x3FA9];
	_ =	sdelay $0x3  }
0x37: {  	[smem:$0x3FA9] =	sst s10  }
0x38: {  	s10 =	sld [smem:$0x3FAA]  }
0x39: {  	_ = 	snop;
	(pc) =	sbr.ind lr, $3  }
0x3a: {  	_ = 	snop  }
0x3b: {  	_ = 	snop  }
0x3c: {  	p2 =	seq.s32 s10, $0x1;
	s10 =	sld [smem:$0x3FA9]  }
0x3d: {  	_ =	shalt  }
0x3e: {  	_ =	shalt  }
0x3f: {  	_ =	shalt  }
0x40: {  	_ =	shalt  }
0x41: {  	_ =	shalt  }
0x42: {  	_ =	shalt  }
0x43: {  	_ =	shalt  }
0x44: {  	_ =	shalt  }
0x45: {  	_ =	shalt  }
0x46: {  	_ =	shalt  }
0x47: {  	_ =	shalt  }
0x48: {  	_ =	shalt  }
0x49: {  	_ =	shalt  }
0x4a: {  	_ =	shalt  }
0x4b: {  	_ =	shalt  }
0x4c: {  	_ =	shalt  }
0x4d: {  	_ =	shalt  }
0x4e: {  	_ =	shalt  }
0x4f: {  	_ =	shalt  }
0x50: {  	_ =	shalt  }
0x51: {  	_ =	shalt  }
0x52: {  	_ =	shalt  }
0x53: {  	_ =	shalt  }
0x54: {  	_ =	shalt  }
0x55: {  	_ =	shalt  }
0x56: {  	_ =	shalt  }
0x57: {  	_ =	shalt  }
0x58: {  	_ =	shalt  }
0x59: {  	_ =	shalt  }
0x5a: {  	_ =	shalt  }
0x5b: {  	_ =	shalt  }
0x5c: {  	_ =	shalt  }
0x5d: {  	_ =	shalt  }
0x5e: {  	_ =	shalt  }
0x5f: {  	_ =	shalt  }
0x60: {  	_ =	shalt  }
0x61: {  	_ =	shalt  }
0x62: {  	_ =	shalt  }
0x63: {  	_ =	shalt  }
0x64: {  	_ =	shalt  }
0x65: {  	_ =	shalt  }
0x66: {  	_ =	shalt  }
0x67: {  	_ =	shalt  }
0x68: {  	_ =	shalt  }
0x69: {  	_ =	shalt  }
0x6a: {  	_ =	shalt  }
0x6b: {  	_ =	shalt  }
0x6c: {  	_ =	shalt  }
0x6d: {  	_ =	shalt  }
0x6e: {  	_ =	shalt  }
0x6f: {  	_ =	shalt  }
0x70: {  	_ =	shalt  }
0x71: {  	_ =	shalt  }
0x72: {  	_ =	shalt  }
0x73: {  	_ =	shalt  }
0x74: {  	_ =	shalt  }
0x75: {  	_ =	shalt  }
0x76: {  	_ =	shalt  }
0x77: {  	_ =	shalt  }
0x78: {  	_ =	shalt  }
0x79: {  	_ =	shalt  }
0x7a: {  	_ =	shalt  }
0x7b: {  	_ =	shalt  }
0x7c: {  	_ =	shalt  }
0x7d: {  	_ =	shalt  }
0x7e: {  	_ =	shalt  }
0x7f: {  	_ =	shalt  }
0x80: {  	_ =	shalt  }
0x81: {  	_ =	shalt  }
0x82: {  	_ =	shalt  }
0x83: {  	_ =	shalt  }
0x84: {  	_ =	shalt  }
0x85: {  	_ =	shalt  }
0x86: {  	_ =	shalt  }
0x87: {  	_ =	shalt  }
.Lfunc_end0:
.L_simem_size_0:
called_computation.2_lowered:
.L_overlay_start_0:
0x88: {  	s2 =	sld [smem:$0x3FD9]  }
0x89: {  	s3 =	sld [smem:$0x3FFE];
	_ =	sdelay $0x1  }
0x8a: {  	s1 =	srdreg.scid  }
0x8b: {  	s0 =	sand.u32 $0x1, s1  }
0x8c: {  	s16 =	sshll.u32 s0, $0xA;
	s2 =	sadd.s32 s3, s2  }
0x8d: {  	s2 =	sadd.s32 s2, s16  }
0x8e: {  	[smem:$0x3FB5] =	sst s2  }
0x8f: {  	_ = 	snop  }
0x90: {  	(tm) =	ssettm $0x1  }
0x91: {  	s17 =	sld [smem:$0x3FFB];
	_ =	sdelay $0x3  }
0x92: {  	_ =	strace s17  }
0x93: {  	s2 =	sld [smem:$0x3FFC];
	_ =	sdelay $0x3  }
0x94: {  	_ =	strace s2  }
0x95: {  	s2 =	sld [smem:$0x3FFD];
	_ =	sdelay $0x3  }
0x96: {  	_ =	strace s2  }
0x97: {  	_ =	strace $0x8FFFFFFF  }
0x98: {  	s18 =	sld [smem:$0x3FDB];
	_ =	sdelay $0x1  }
0x99: {  	s19 =	simm.s32 $_scs_section_size  }
0x9a: {  	s4 =	simm.s32 $_size__tile_overlayer_lowered;
	s5 =	simm.s32 $_tile_overlayer_lowered  }
0x9b: {  	s22 =	simm.s32 $0x1BFF;
	s21 =	sshll.u32 s5, $0x1;
	s2 =	sadd.s32 s19, s18  }
0x9c: {  	s6 =	simm.s32 $0x0;
	s20 =	sshll.u32 s4, $0x1;
	s4 =	sadd.s32 s21, s2  }
0x9d: {  	[timem:s6], [sflag:s22] =	dma.local [hbm:s4], s20  }
0x9e: {  	_ =	swait.ge [sflag:s22], s20  }
0x9f: {  	s3 =	ssub.s32 $0x0, s20;
	[sflag:s22] =	ssyncset.done $0x0  }
0xa0: {  	[sflag:s22] =	ssyncadd.s32 s3;
	_ =	sdelay $0x1  }
0xa1: {  	s23 =	simm.s32 $0x1B8B  }
0xa2: {  	_ =	swait.ge [sflag:s23], $0x1  }
0xa3: {  	[sflag:s23] =	ssyncset.done $0x0  }
0xa4: {  	s25 =	simm.s32 $0x1B8E;
	s24 =	sld [smem:$0x3FFE];
	[sflag:s23] =	ssyncadd.s32 $0xFFFFFFFF  }
0xa5: {  	s26 =	simm.s32 $execute0_lowered;
	[smem:$0x3FD2] =	sst s25  }
0xa6: {  	s4 =	sshll.u32 s26, $0x1;
	_ =	strace $0x8000004C;
	[dreg:$0x1] =	wrdreg $0xFFFFFFFF  }
0xa7: {  	s28 =	simm.s32 $_size_execute0_lowered;
	s2 =	sadd.s32 s2, s4;
	[dreg:$0x0] =	wrdreg $0x0  }
0xa8: {  	s4 =	sshll.u32 s28, $0x1;
	[dreg:$0x2] =	wrdreg s2  }
0xa9: {  	[dreg:$0x3] =	wrdreg s4  }
0xaa: {  	[dreg:$0x4] =	wrdreg $0xC0  }
0xab: {  	_ =	task [dreg:s6], $0x5FFFF  }
0xac: {  	[dreg:$0x1] =	wrdreg $0xFFFFFFFF  }
0xad: {  	[dreg:$0x0] =	wrdreg $0x60  }
0xae: {  	[dreg:$0x2] =	wrdreg s24  }
0xaf: {  	[dreg:$0x3] =	wrdreg $0xB8000  }
0xb0: {  	[dreg:$0x4] =	wrdreg $0x9  }
0xb1: {  	_ =	task.clear_ibuf [dreg:s6], $0x5FFFF;
	_ =	strace $0x9000004C  }
0xb2: {  	s29 =	simm.s32 $0x9;
	_ =	strace $0x8000004E  }
0xb3: {  	_ =	swait.ge [sflag:s29], $0x1  }
0xb4: {  	[sflag:s29] =	ssyncadd.s32 $0xFFFFFFFF  }
0xb5: {  	_ =	strace $0x9000004E  }
0xb6: {  	_ =	sfence  }
0xb7: {  	s30 =	sld [smem:$0x0];
	_ =	sdelay $0x2  }
0xb8: {  	s31 =	sshll.u32 s1, $0xD;
	s1 =	sshrl.u32 s1, $0x2  }
0xb9: {  	s3 =	sand.u32 $0x4000, s31;
	s1 =	sadd.s32 s1, s30  }
0xba: {  	s0 =	sor.u32 s3, s0;
	s1 =	sshll.u32 s1, $0x11  }
0xbb: {  	s0 =	sor.u32 s1, s0  }
0xbc: {  	s0 =	sadd.s32 $0x8F2B, s0  }
0xbd: {  	[sflag:s0] =	ssyncadd.remote.s32 $0x1  }
0xbe: {  	_ =	sfence.sel $0xFFFF  }
0xbf: {  	[dreg:$0x0] =	wrdreg $0xFFFFFFFF;
	(pc) =	sbr.abs _section_cstart, $3  }
0xc0: {  	[dreg:$0x1] =	wrdreg $0xFFFFFFFF  }
0xc1: {  	_ =	task.clear_ibuf [dreg:s6], $0x2FFFF;
	_ =	strace $0x9FFFFFFF  }
0xc2: {  	(tm) =	ssettm $0x7FFFFFFF  }
0xc3: {  	_ =	shalt  }
tec
execute0_lowered:
.L_overlay_start_1:
0x0: {  	(tag) =	ssettag $0x1  }
0x1: {  	s6 =	rddreg [dreg:$0x0];
	s1 =	srdreg.scid  }
0x2: {  	s0 =	stileid.u32;
	s2 =	rddreg [dreg:$0x1]  }
0x3: {  	s3 =	simm.s32 $0x0;
	s17 =	simm.s32 $0x80;
	s8 =	smul.u32 $0x13C00, s0  }
0x4: {  	s18 =	simm.s32 $0x5000;
	s19 =	simm.s32 $0x0;
	s11 =	smul.u32 $0x2800, s0  }
0x5: {  	s7 =	sand.u32 $0x1, s1;
	s1 =	rddreg [dreg:$0x2];
	s12 =	smul.u32 $0x4F000, s0  }
0x6: {  	[smem:$0x7FF] =	sst s3;
	s4 =	sadd.s32 $0x18800, s6;
	s9 =	smul.u32 $0x13C000, s7  }
0x7: {  	s5 =	sadd.s32 $0x3FA00, s6;
	s10 =	smul.u32 $0x28000, s7;
	s7 =	ssub.s32 $0x2, s7  }
0x8: {  	s31 =	sshll.u32 s0, $0x6;
	_ =	strace $0x8000004D;
	s28 =	sshrl.u32 s7, $0x1  }
0x9: {  	s29 =	sshrl.u32 s12, $0x2;
	s30 =	sshrl.u32 s8, $0x3;
	s9 =	sadd.s32 s8, s9  }
0xa: {  	s10 =	sadd.s32 s11, s10;
	s15 =	ssub.s32 s7, s28;
	s16 =	sadd.s32 s29, s2  }
0xb: {  	s7 =	sor.u32 $0x1C01, s31;
	s9 =	sshrl.u32 s9, $0x3;
	s10 =	sshrl.u32 s10, $0x3  }
0xc: {  	s12 =	smax.u32 s15, $0x1;
	s15 =	simm.s32 $0x9000;
	s14 =	sadd.s32 s10, s6  }
0xd: {  	s13 =	sadd.s32 s9, s6;
	s6 =	sadd.s32 s5, s30;
	s8 =	sadd.s32 $0x4800, s14  }
0xe: {  	s9 =	sadd.s32 $0xE800, s14;
	s10 =	sadd.s32 $0x71200, s13;
	s11 =	sadd.s32 $0x67200, s14  }
0xf: {  	v0 =	vimm.f32 $1.000000000e+00;
	s13 =	sshrl.u32 s16, $0x3;
	s14 =	simm.s32 $0x1;
	s16 =	simm.s32 $0x2800  }
.LBB2_1:
0x10: {  	[spmem:s13], [sflag:s7] =	dma.local [hbm:s6], $0x2780  }
0x11: {  	_ =	swait.ge [sflag:s14], $0x2780  }
0x12: {  	[sflag:s14] =	ssyncset.done $0x0  }
0x13: {  	[sflag:s14] =	ssyncadd.s32 $0xFFFFD880  }
0x14: {  	[tilespmem:s15], [sflag:$0x1] =	stream.linear.gather [hbm4b:s5+s3], $0x2800, $0x38;
	[tilespmem:$0x1F400] =	vst v63  }
0x15: {  	_ =	swait.ge [sflag:s14], $0x2800  }
0x16: {  	[sflag:s14] =	ssyncset.done $0x0  }
0x17: {  	[sflag:s14] =	ssyncadd.s32 $0xFFFFD800  }
0x18: {  	[tilespmem:s3], [sflag:$0x1] =	stream.linear.gather [hbm4b:s8+s3], $0x2780, $0x38;
	[tilespmem:$0x1F400] =	vst v63  }
0x19: {  	_ =	swait.ge [sflag:s14], $0x2780  }
0x1a: {  	[sflag:s14] =	ssyncset.done $0x0  }
0x1b: {  	[sflag:s14] =	ssyncadd.s32 $0xFFFFD880  }
0x1c: {  	[tilespmem:s16], [sflag:$0x1] =	stream.linear.gather [hbm4b:s9+s3], $0x2780, $0x38;
	[tilespmem:$0x1F400] =	vst v63  }
0x1d: {  	_ =	swait.ge [sflag:s14], $0x2780  }
0x1e: {  	[sflag:s14] =	ssyncset.done $0x0  }
0x1f: {  	[sflag:s14] =	ssyncadd.s32 $0xFFFFD880  }
0x20: {  	s20 =	simm.s32 $0x0;
	[bflag:$0x0] =	sbarrier.arrive $0xFFFF  }
.LBB2_2:
0x21: {  	s21 =	sshra.s32 s20, $0x2  }
0x22: {  	[tilespmem:s18], [sflag:$0x1] =	stream.indirect.gather [hbm4b:s4+s17], $0x80, s21, s17, $0xb8;
	[tilespmem:$0x1F400] =	vst v63  }
0x23: {  	_ =	swait.ge [sflag:s14], $0x4000  }
0x24: {  	[sflag:s14] =	ssyncset.done $0x0  }
0x25: {  	s22 =	sadd.s32 $0x2800, s21;
	[sflag:s14] =	ssyncadd.s32 $0xFFFFC000  }
0x26: {  	[spmem:s2] =	stream.indirect.scatter.add.f32 [tilespmem:s18], [sflag:$0x1], $0x80, s22, s17, $0xb8;
	[tilespmem:$0x1F400] =	vst v63  }
0x27: {  	_ =	swait.ge [sflag:s14], $0x4000  }
0x28: {  	[sflag:s14] =	ssyncset.done $0x0  }
0x29: {  	[sflag:s14] =	ssyncadd.s32 $0xFFFFC000  }
0x2a: {  	v1 =	vld [tilespmem:s21+$0x2800];
	_ =	sdelay $0x7  }
0x2b: {  	[tilespmem:v1+s15+$0x0] =	vst.idx.add.f32.msk $0xffff, v0  }
0x2c: {  	v1 =	vld [tilespmem:s21+$0x2810];
	_ =	sdelay $0x7  }
0x2d: {  	[tilespmem:v1+s15+$0x0] =	vst.idx.add.f32.msk $0xffff, v0  }
0x2e: {  	v1 =	vld [tilespmem:s21+$0x2820];
	_ =	sdelay $0x7  }
0x2f: {  	[tilespmem:v1+s15+$0x0] =	vst.idx.add.f32.msk $0xffff, v0  }
0x30: {  	v1 =	vld [tilespmem:s21+$0x2830];
	_ =	sdelay $0x7  }
0x31: {  	[tilespmem:v1+s15+$0x0] =	vst.idx.add.f32.msk $0xffff, v0  }
0x32: {  	v1 =	vld [tilespmem:s21+$0x2840];
	_ =	sdelay $0x7  }
0x33: {  	[tilespmem:v1+s15+$0x0] =	vst.idx.add.f32.msk $0xffff, v0  }
0x34: {  	v1 =	vld [tilespmem:s21+$0x2850];
	_ =	sdelay $0x7  }
0x35: {  	[tilespmem:v1+s15+$0x0] =	vst.idx.add.f32.msk $0xffff, v0  }
0x36: {  	v1 =	vld [tilespmem:s21+$0x2860];
	_ =	sdelay $0x7  }
0x37: {  	[tilespmem:v1+s15+$0x0] =	vst.idx.add.f32.msk $0xffff, v0  }
0x38: {  	v1 =	vld [tilespmem:s21+$0x2870];
	_ =	sdelay $0x2  }
0x39: {  	p0 =	sne.s32 s20, $0x9C00  }
.Ltmp0:
0x3a: {  	_ = 	snop;
	(pc) =	sbr.rel @p0 .LBB2_2-.Ltmp0, $2  }
0x3b: {  	_ =	sdelay $0x2  }
0x3c: {  	s20 =	sadd.s32 $0x200, s20;
	[tilespmem:v1+s15+$0x0] =	vst.idx.add.f32.msk $0xffff, v0  }
0x3d: {  	[bflag:$0x0] =	sbarrier.arrive $0xFFFF  }
0x3e: {  	[hbm:s10], [sflag:s7] =	dma.local [spmem:s13], $0x2780  }
0x3f: {  	s19 =	sadd.s32 $0x1, s19;
	_ =	swait.ge [sflag:s14], $0x2780  }
0x40: {  	p0 =	sne.s32 s19, s12;
	[sflag:s14] =	ssyncset.done $0x0  }
.Ltmp1:
0x41: {  	[sflag:s14] =	ssyncadd.s32 $0xFFFFD880;
	(pc) =	sbr.rel @p0 .LBB2_1-.Ltmp1, $4  }
0x42: {  	[hbm4b:s11+s3] =	stream.linear.scatter [tilespmem:s15], [sflag:$0x1], $0x2800, $0x38;
	[tilespmem:$0x1F400] =	vst v63  }
0x43: {  	_ =	swait.ge [sflag:s14], $0x2800  }
0x44: {  	[sflag:s14] =	ssyncset.done $0x0  }
0x45: {  	[sflag:s14] =	ssyncadd.s32 $0xFFFFD800  }
0x46: {  	_ =	sfence.sel $0x180000  }
0x47: {  	[bflag:$0x0] =	sbarrier.arrive $0xFFFF  }
0x48: {  	p0 =	sne.s32 s0, $0x0;
	_ =	strace $0x9000004D  }
0x49: {  	s0 =	sadd.s32 @!p0 $0x100000, s1;
	[bflag:$0x2] =	sbarrier.arrive $0xFFFF  }
0x4a: {  	[sflag:s0] =	ssyncadd.tile.s32 @!p0 $0x1;
	_ =	shalt  }
.Lfunc_end2:
_tile_overlayer_lowered:
.L_overlay_start_2:
0x4b: {  	(tag) =	ssettag $0x2  }
0x4c: {  	s0 =	rddreg [dreg:$0x0];
	s2 =	stileid.u32  }
0x4d: {  	s1 =	rddreg [dreg:$0x1];
	p0 =	sne.s32 s2, $0x0  }
0x4e: {  	s3 =	rddreg [dreg:$0x2];
	[bflag:$0x3] =	sbarrier.arrive $0xFFFF;
	s2 =	simm.s32 @!p0 $0x1C01  }
0x4f: {  	[timem:s3], [sflag:s2] =	dma.local @!p0 [hbm:s0], s1  }
0x50: {  	s0 =	simm.s32 @!p0 $0x1  }
0x51: {  	_ =	swait.ge @!p0 [sflag:s0], s1  }
0x52: {  	s1 =	ssub.s32 @!p0 $0x0, s1;
	[sflag:s0] =	ssyncset.done @!p0 $0x0  }
0x53: {  	[sflag:s0] =	ssyncadd.s32 @!p0 s1  }
0x54: {  	[bflag:$0x3] =	sbarrier.arrive $0xFFFF  }
0x55: {  	_ =	shalt  }

// kernel: kernel.9.cloned.1.call-start
scs
__scs_entry_jumppad:
0x0: {  	(pc) =	sbr.rel $0x88, $3  }
0x1: {  	(tag) =	ssettag $0x0;
	lr =	simm.s32 $0x1  }
0x2: {  	[smem:$0x3F8E] =	sst lr;
	_ =	strace $0xD0000000  }
0x3: {  	_ = 	snop  }
0x4: {  	_ = 	snop  }
0x5: {  	_ = 	snop  }
0x6: {  	_ = 	snop  }
0x7: {  	_ = 	snop  }
__scs_overlays_trampoline_lowered:
0x8: {  	[smem:$0x3F9D] =	sst s0  }
0x9: {  	[smem:$0x3F9E] =	sst s1  }
0xa: {  	[smem:$0x3F9F] =	sst s2  }
0xb: {  	[smem:$0x3FA0] =	sst s3  }
0xc: {  	[smem:$0x3FA1] =	sst s4  }
0xd: {  	[smem:$0x3FA2] =	sst s5  }
0xe: {  	[smem:$0x3FA3] =	sst s6  }
0xf: {  	[smem:$0x3FA4] =	sst s7  }
0x10: {  	[smem:$0x3FA5] =	sst s8  }
0x11: {  	[smem:$0x3FA6] =	sst s9;
	s0 =	simm.s32 @!p0 $0x0  }
0x12: {  	s1 =	sld [smem:$0x3F8C];
	s0 =	simm.s32 @p0 $0x1  }
0x13: {  	[smem:$0x3FA7] =	sst s0;
	s0 =	simm.s32 @!p1 $0x0  }
0x14: {  	s2 =	sld [smem:$0x3F8B];
	s0 =	simm.s32 @p1 $0x1  }
0x15: {  	[smem:$0x3FA8] =	sst s0;
	s0 =	simm.s32 @!p2 $0x0  }
0x16: {  	s3 =	sld [smem:$0x3FDB];
	s0 =	simm.s32 @p2 $0x1  }
0x17: {  	s4 =	simm.s32 $0x1BF5;
	[smem:$0x3FAA] =	sst s0  }
0x18: {  	s0 =	sld [smem:$0x3F8D];
	_ =	swait.ge [sflag:s4], $0x0  }
0x19: {  	s7 =	sld [smem:$0x3F8E]  }
0x1a: {  	s8 =	sadd.s32 $0xFFFFE003, lr  }
0x1b: {  	s9 =	sadd.s32 $0xFFFFFEF7, lr;
	s5 =	simm.s32 $0xFFFFFFFF;
	p2 =	slt.u32 s8, $0xFFFFF086  }
0x1c: {  	p1 =	slt.u32 s9, $0xF7A;
	s5 =	simm.s32 @!p2 $0x0  }
0x1d: {  	s5 =	simm.s32 @p1 $0x1;
	p0 =	seq.s32 s7, s2  }
0x1e: {  	s7 =	smul.u32 @!p0 $0xF7A, s2;
	p2 =	seq.s32 @!p0 s5, $0x0  }
0x1f: {  	s9 =	smul.u32 $0xF7A, s1;
	s8 =	simm.s32 @!p0 $0x1BF5;
	p2 =	por !p2, p0  }
0x20: {  	[sflag:s8] =	ssyncset.s32 @!p0 $0xFFFFF086;
	s6 =	sadd.s32 @!p0 s3, s7;
	s7 =	simm.s32 @!p0 $0x108  }
0x21: {  	s3 =	sadd.s32 s3, s9;
	s6 =	sadd.s32 @!p0 $0x88, s6;
	s7 =	simm.s32 @p2 $0x1082  }
0x22: {  	[simem:s7], [sflag:s8] =	dma.local @!p0 [hbm:s6], $0xF7A  }
0x23: {  	s9 =	sor.u32 $0xD0000000, s2;
	s6 =	simm.s32 $0x108;
	_ =	swait.ge @!p0 [sflag:s8], $0x0  }
0x24: {  	s3 =	sadd.s32 $0x88, s3;
	s6 =	simm.s32 @!p1 $0x1082;
	[sflag:s4] =	ssyncset.s32 $0xFFFFF086  }
0x25: {  	[simem:s6], [sflag:s4] =	dma.local [hbm:s3], $0xF7A  }
0x26: {  	[smem:$0x3F8E] =	sst s1;
	(tag) =	ssettag s2;
	_ =	strace s9  }
0x27: {  	s1 =	sld [smem:$0x3F9E]  }
0x28: {  	s2 =	sld [smem:$0x3F9F]  }
0x29: {  	s4 =	sld [smem:$0x3FA1]  }
0x2a: {  	p0 =	seq.s32 s5, $0x0;
	s5 =	sld [smem:$0x3FA2]  }
0x2b: {  	s6 =	sld [smem:$0x3FA3]  }
0x2c: {  	s7 =	sld [smem:$0x3FA4]  }
0x2d: {  	s3 =	simm.s32 $0x108;
	s8 =	sld [smem:$0x3FA5]  }
0x2e: {  	s3 =	simm.s32 @!p0 $0x1082;
	s9 =	sld [smem:$0x3FA6]  }
0x2f: {  	lr =	sadd.s32 s0, s3;
	s0 =	sld [smem:$0x3F9D]  }
0x30: {  	s3 =	sld [smem:$0x3FA0]  }
0x31: {  	[smem:$0x3FA9] =	sst s10  }
0x32: {  	s10 =	sld [smem:$0x3FA7];
	_ =	sdelay $0x3  }
0x33: {  	p0 =	seq.s32 s10, $0x1;
	s10 =	sld [smem:$0x3FA9];
	_ =	sdelay $0x3  }
0x34: {  	[smem:$0x3FA9] =	sst s10  }
0x35: {  	s10 =	sld [smem:$0x3FA8];
	_ =	sdelay $0x3  }
0x36: {  	p1 =	seq.s32 s10, $0x1;
	s10 =	sld [smem:$0x3FA9];
	_ =	sdelay $0x3  }
0x37: {  	[smem:$0x3FA9] =	sst s10  }
0x38: {  	s10 =	sld [smem:$0x3FAA]  }
0x39: {  	_ = 	snop;
	(pc) =	sbr.ind lr, $3  }
0x3a: {  	_ = 	snop  }
0x3b: {  	_ = 	snop  }
0x3c: {  	p2 =	seq.s32 s10, $0x1;
	s10 =	sld [smem:$0x3FA9]  }
0x3d: {  	_ =	shalt  }
0x3e: {  	_ =	shalt  }
0x3f: {  	_ =	shalt  }
0x40: {  	_ =	shalt  }
0x41: {  	_ =	shalt  }
0x42: {  	_ =	shalt  }
0x43: {  	_ =	shalt  }
0x44: {  	_ =	shalt  }
0x45: {  	_ =	shalt  }
0x46: {  	_ =	shalt  }
0x47: {  	_ =	shalt  }
0x48: {  	_ =	shalt  }
0x49: {  	_ =	shalt  }
0x4a: {  	_ =	shalt  }
0x4b: {  	_ =	shalt  }
0x4c: {  	_ =	shalt  }
0x4d: {  	_ =	shalt  }
0x4e: {  	_ =	shalt  }
0x4f: {  	_ =	shalt  }
0x50: {  	_ =	shalt  }
0x51: {  	_ =	shalt  }
0x52: {  	_ =	shalt  }
0x53: {  	_ =	shalt  }
0x54: {  	_ =	shalt  }
0x55: {  	_ =	shalt  }
0x56: {  	_ =	shalt  }
0x57: {  	_ =	shalt  }
0x58: {  	_ =	shalt  }
0x59: {  	_ =	shalt  }
0x5a: {  	_ =	shalt  }
0x5b: {  	_ =	shalt  }
0x5c: {  	_ =	shalt  }
0x5d: {  	_ =	shalt  }
0x5e: {  	_ =	shalt  }
0x5f: {  	_ =	shalt  }
0x60: {  	_ =	shalt  }
0x61: {  	_ =	shalt  }
0x62: {  	_ =	shalt  }
0x63: {  	_ =	shalt  }
0x64: {  	_ =	shalt  }
0x65: {  	_ =	shalt  }
0x66: {  	_ =	shalt  }
0x67: {  	_ =	shalt  }
0x68: {  	_ =	shalt  }
0x69: {  	_ =	shalt  }
0x6a: {  	_ =	shalt  }
0x6b: {  	_ =	shalt  }
0x6c: {  	_ =	shalt  }
0x6d: {  	_ =	shalt  }
0x6e: {  	_ =	shalt  }
0x6f: {  	_ =	shalt  }
0x70: {  	_ =	shalt  }
0x71: {  	_ =	shalt  }
0x72: {  	_ =	shalt  }
0x73: {  	_ =	shalt  }
0x74: {  	_ =	shalt  }
0x75: {  	_ =	shalt  }
0x76: {  	_ =	shalt  }
0x77: {  	_ =	shalt  }
0x78: {  	_ =	shalt  }
0x79: {  	_ =	shalt  }
0x7a: {  	_ =	shalt  }
0x7b: {  	_ =	shalt  }
0x7c: {  	_ =	shalt  }
0x7d: {  	_ =	shalt  }
0x7e: {  	_ =	shalt  }
0x7f: {  	_ =	shalt  }
0x80: {  	_ =	shalt  }
0x81: {  	_ =	shalt  }
0x82: {  	_ =	shalt  }
0x83: {  	_ =	shalt  }
0x84: {  	_ =	shalt  }
0x85: {  	_ =	shalt  }
0x86: {  	_ =	shalt  }
0x87: {  	_ =	shalt  }
.Lfunc_end0:
.L_simem_size_0:
called_computation_lowered:
.L_overlay_start_0:
0x88: {  	s2 =	sld [smem:$0x3FD9]  }
0x89: {  	s3 =	sld [smem:$0x3FFE];
	_ =	sdelay $0x1  }
0x8a: {  	s1 =	srdreg.scid  }
0x8b: {  	s0 =	sand.u32 $0x1, s1  }
0x8c: {  	s16 =	sshll.u32 s0, $0xA;
	s2 =	sadd.s32 s3, s2  }
0x8d: {  	s2 =	sadd.s32 s2, s16  }
0x8e: {  	[smem:$0x3FB5] =	sst s2  }
0x8f: {  	_ = 	snop  }
0x90: {  	(tm) =	ssettm $0x1  }
0x91: {  	s17 =	sld [smem:$0x3FFB];
	_ =	sdelay $0x3  }
0x92: {  	_ =	strace s17  }
0x93: {  	s2 =	sld [smem:$0x3FFC];
	_ =	sdelay $0x3  }
0x94: {  	_ =	strace s2  }
0x95: {  	s2 =	sld [smem:$0x3FFD];
	_ =	sdelay $0x3  }
0x96: {  	_ =	strace s2  }
0x97: {  	_ =	strace $0x8FFFFFFF  }
0x98: {  	s18 =	sld [smem:$0x3FDB];
	_ =	sdelay $0x1  }
0x99: {  	s19 =	simm.s32 $_scs_section_size  }
0x9a: {  	s4 =	simm.s32 $_size__tile_overlayer_lowered;
	s5 =	simm.s32 $_tile_overlayer_lowered  }
0x9b: {  	s22 =	simm.s32 $0x1BFF;
	s21 =	sshll.u32 s5, $0x1;
	s2 =	sadd.s32 s19, s18  }
0x9c: {  	s6 =	simm.s32 $0x0;
	s20 =	sshll.u32 s4, $0x1;
	s4 =	sadd.s32 s21, s2  }
0x9d: {  	[timem:s6], [sflag:s22] =	dma.local [hbm:s4], s20  }
0x9e: {  	_ =	swait.ge [sflag:s22], s20  }
0x9f: {  	s3 =	ssub.s32 $0x0, s20;
	[sflag:s22] =	ssyncset.done $0x0  }
0xa0: {  	[sflag:s22] =	ssyncadd.s32 s3;
	_ =	sdelay $0x1  }
0xa1: {  	s23 =	simm.s32 $0x1B8B  }
0xa2: {  	_ =	swait.ge [sflag:s23], $0x1  }
0xa3: {  	[sflag:s23] =	ssyncset.done $0x0  }
0xa4: {  	s25 =	simm.s32 $0x1B8E;
	s24 =	sld [smem:$0x3FFE];
	[sflag:s23] =	ssyncadd.s32 $0xFFFFFFFF  }
0xa5: {  	s26 =	simm.s32 $execute0_lowered;
	[smem:$0x3FD2] =	sst s25  }
0xa6: {  	s4 =	sshll.u32 s26, $0x1;
	_ =	strace $0x80000046;
	[dreg:$0x1] =	wrdreg $0xFFFFFFFF  }
0xa7: {  	s28 =	simm.s32 $_size_execute0_lowered;
	s2 =	sadd.s32 s2, s4;
	[dreg:$0x0] =	wrdreg $0x0  }
0xa8: {  	s4 =	sshll.u32 s28, $0x1;
	[dreg:$0x2] =	wrdreg s2  }
0xa9: {  	[dreg:$0x3] =	wrdreg s4  }
0xaa: {  	[dreg:$0x4] =	wrdreg $0xC0  }
0xab: {  	_ =	task [dreg:s6], $0x5FFFF  }
0xac: {  	[dreg:$0x1] =	wrdreg $0xFFFFFFFF  }
0xad: {  	[dreg:$0x0] =	wrdreg $0x60  }
0xae: {  	[dreg:$0x2] =	wrdreg s24  }
0xaf: {  	[dreg:$0x3] =	wrdreg $0xB8000  }
0xb0: {  	[dreg:$0x4] =	wrdreg $0x9  }
0xb1: {  	_ =	task.clear_ibuf [dreg:s6], $0x5FFFF;
	_ =	strace $0x90000046  }
0xb2: {  	s29 =	simm.s32 $0x9;
	_ =	strace $0x80000048  }
0xb3: {  	_ =	swait.ge [sflag:s29], $0x1  }
0xb4: {  	[sflag:s29] =	ssyncadd.s32 $0xFFFFFFFF  }
0xb5: {  	_ =	strace $0x90000048  }
0xb6: {  	_ =	sfence  }
0xb7: {  	s30 =	sld [smem:$0x0];
	_ =	sdelay $0x2  }
0xb8: {  	s31 =	sshll.u32 s1, $0xD;
	s1 =	sshrl.u32 s1, $0x2  }
0xb9: {  	s3 =	sand.u32 $0x4000, s31;
	s1 =	sadd.s32 s1, s30  }
0xba: {  	s0 =	sor.u32 s3, s0;
	s1 =	sshll.u32 s1, $0x11  }
0xbb: {  	s0 =	sor.u32 s1, s0  }
0xbc: {  	s0 =	sadd.s32 $0x8F2B, s0  }
0xbd: {  	[sflag:s0] =	ssyncadd.remote.s32 $0x1  }
0xbe: {  	_ =	sfence.sel $0xFFFF  }
0xbf: {  	[dreg:$0x0] =	wrdreg $0xFFFFFFFF;
	(pc) =	sbr.abs _section_cstart, $3  }
0xc0: {  	[dreg:$0x1] =	wrdreg $0xFFFFFFFF  }
0xc1: {  	_ =	task.clear_ibuf [dreg:s6], $0x2FFFF;
	_ =	strace $0x9FFFFFFF  }
0xc2: {  	(tm) =	ssettm $0x7FFFFFFF  }
0xc3: {  	_ =	shalt  }
tec
execute0_lowered:
.L_overlay_start_1:
0x0: {  	(tag) =	ssettag $0x1  }
0x1: {  	s6 =	rddreg [dreg:$0x0];
	s1 =	srdreg.scid  }
0x2: {  	s0 =	stileid.u32;
	s2 =	rddreg [dreg:$0x1]  }
0x3: {  	s3 =	simm.s32 $0x0;
	s17 =	simm.s32 $0x80;
	s8 =	smul.u32 $0x13C00, s0  }
0x4: {  	s18 =	simm.s32 $0x5000;
	s19 =	simm.s32 $0x0;
	s11 =	smul.u32 $0x2800, s0  }
0x5: {  	s7 =	sand.u32 $0x1, s1;
	s1 =	rddreg [dreg:$0x2];
	s12 =	smul.u32 $0x4F000, s0  }
0x6: {  	[smem:$0x7FF] =	sst s3;
	s4 =	sadd.s32 $0x18800, s6;
	s9 =	smul.u32 $0x13C000, s7  }
0x7: {  	s5 =	sadd.s32 $0x3FA00, s6;
	s10 =	smul.u32 $0x28000, s7;
	s7 =	ssub.s32 $0x2, s7  }
0x8: {  	s31 =	sshll.u32 s0, $0x6;
	_ =	strace $0x80000047;
	s28 =	sshrl.u32 s7, $0x1  }
0x9: {  	s29 =	sshrl.u32 s12, $0x2;
	s30 =	sshrl.u32 s8, $0x3;
	s9 =	sadd.s32 s8, s9  }
0xa: {  	s10 =	sadd.s32 s11, s10;
	s15 =	ssub.s32 s7, s28;
	s16 =	sadd.s32 s29, s2  }
0xb: {  	s7 =	sor.u32 $0x1C01, s31;
	s9 =	sshrl.u32 s9, $0x3;
	s10 =	sshrl.u32 s10, $0x3  }
0xc: {  	s12 =	smax.u32 s15, $0x1;
	s15 =	simm.s32 $0x9000;
	s14 =	sadd.s32 s10, s6  }
0xd: {  	s13 =	sadd.s32 s9, s6;
	s6 =	sadd.s32 s5, s30;
	s8 =	sadd.s32 $0x4800, s14  }
0xe: {  	s9 =	sadd.s32 $0xE800, s14;
	s10 =	sadd.s32 $0x71200, s13;
	s11 =	sadd.s32 $0x67200, s14  }
0xf: {  	v0 =	vimm.f32 $1.000000000e+00;
	s13 =	sshrl.u32 s16, $0x3;
	s14 =	simm.s32 $0x1;
	s16 =	simm.s32 $0x2800  }
.LBB2_1:
0x10: {  	[spmem:s13], [sflag:s7] =	dma.local [hbm:s6], $0x2780  }
0x11: {  	_ =	swait.ge [sflag:s14], $0x2780  }
0x12: {  	[sflag:s14] =	ssyncset.done $0x0  }
0x13: {  	[sflag:s14] =	ssyncadd.s32 $0xFFFFD880  }
0x14: {  	[tilespmem:s15], [sflag:$0x1] =	stream.linear.gather [hbm4b:s5+s3], $0x2800, $0x38;
	[tilespmem:$0x1F400] =	vst v63  }
0x15: {  	_ =	swait.ge [sflag:s14], $0x2800  }
0x16: {  	[sflag:s14] =	ssyncset.done $0x0  }
0x17: {  	[sflag:s14] =	ssyncadd.s32 $0xFFFFD800  }
0x18: {  	[tilespmem:s3], [sflag:$0x1] =	stream.linear.gather [hbm4b:s8+s3], $0x2780, $0x38;
	[tilespmem:$0x1F400] =	vst v63  }
0x19: {  	_ =	swait.ge [sflag:s14], $0x2780  }
0x1a: {  	[sflag:s14] =	ssyncset.done $0x0  }
0x1b: {  	[sflag:s14] =	ssyncadd.s32 $0xFFFFD880  }
0x1c: {  	[tilespmem:s16], [sflag:$0x1] =	stream.linear.gather [hbm4b:s9+s3], $0x2780, $0x38;
	[tilespmem:$0x1F400] =	vst v63  }
0x1d: {  	_ =	swait.ge [sflag:s14], $0x2780  }
0x1e: {  	[sflag:s14] =	ssyncset.done $0x0  }
0x1f: {  	[sflag:s14] =	ssyncadd.s32 $0xFFFFD880  }
0x20: {  	s20 =	simm.s32 $0x0;
	[bflag:$0x0] =	sbarrier.arrive $0xFFFF  }
.LBB2_2:
0x21: {  	s21 =	sshra.s32 s20, $0x2  }
0x22: {  	[tilespmem:s18], [sflag:$0x1] =	stream.indirect.gather [hbm4b:s4+s17], $0x80, s21, s17, $0xb8;
	[tilespmem:$0x1F400] =	vst v63  }
0x23: {  	_ =	swait.ge [sflag:s14], $0x4000  }
0x24: {  	[sflag:s14] =	ssyncset.done $0x0  }
0x25: {  	s22 =	sadd.s32 $0x2800, s21;
	[sflag:s14] =	ssyncadd.s32 $0xFFFFC000  }
0x26: {  	[spmem:s2] =	stream.indirect.scatter.add.f32 [tilespmem:s18], [sflag:$0x1], $0x80, s22, s17, $0xb8;
	[tilespmem:$0x1F400] =	vst v63  }
0x27: {  	_ =	swait.ge [sflag:s14], $0x4000  }
0x28: {  	[sflag:s14] =	ssyncset.done $0x0  }
0x29: {  	[sflag:s14] =	ssyncadd.s32 $0xFFFFC000  }
0x2a: {  	v1 =	vld [tilespmem:s21+$0x2800];
	_ =	sdelay $0x7  }
0x2b: {  	[tilespmem:v1+s15+$0x0] =	vst.idx.add.f32.msk $0xffff, v0  }
0x2c: {  	v1 =	vld [tilespmem:s21+$0x2810];
	_ =	sdelay $0x7  }
0x2d: {  	[tilespmem:v1+s15+$0x0] =	vst.idx.add.f32.msk $0xffff, v0  }
0x2e: {  	v1 =	vld [tilespmem:s21+$0x2820];
	_ =	sdelay $0x7  }
0x2f: {  	[tilespmem:v1+s15+$0x0] =	vst.idx.add.f32.msk $0xffff, v0  }
0x30: {  	v1 =	vld [tilespmem:s21+$0x2830];
	_ =	sdelay $0x7  }
0x31: {  	[tilespmem:v1+s15+$0x0] =	vst.idx.add.f32.msk $0xffff, v0  }
0x32: {  	v1 =	vld [tilespmem:s21+$0x2840];
	_ =	sdelay $0x7  }
0x33: {  	[tilespmem:v1+s15+$0x0] =	vst.idx.add.f32.msk $0xffff, v0  }
0x34: {  	v1 =	vld [tilespmem:s21+$0x2850];
	_ =	sdelay $0x7  }
0x35: {  	[tilespmem:v1+s15+$0x0] =	vst.idx.add.f32.msk $0xffff, v0  }
0x36: {  	v1 =	vld [tilespmem:s21+$0x2860];
	_ =	sdelay $0x7  }
0x37: {  	[tilespmem:v1+s15+$0x0] =	vst.idx.add.f32.msk $0xffff, v0  }
0x38: {  	v1 =	vld [tilespmem:s21+$0x2870];
	_ =	sdelay $0x2  }
0x39: {  	p0 =	sne.s32 s20, $0x9C00  }
.Ltmp0:
0x3a: {  	_ = 	snop;
	(pc) =	sbr.rel @p0 .LBB2_2-.Ltmp0, $2  }
0x3b: {  	_ =	sdelay $0x2  }
0x3c: {  	s20 =	sadd.s32 $0x200, s20;
	[tilespmem:v1+s15+$0x0] =	vst.idx.add.f32.msk $0xffff, v0  }
0x3d: {  	[bflag:$0x0] =	sbarrier.arrive $0xFFFF  }
0x3e: {  	[hbm:s10], [sflag:s7] =	dma.local [spmem:s13], $0x2780  }
0x3f: {  	s19 =	sadd.s32 $0x1, s19;
	_ =	swait.ge [sflag:s14], $0x2780  }
0x40: {  	p0 =	sne.s32 s19, s12;
	[sflag:s14] =	ssyncset.done $0x0  }
.Ltmp1:
0x41: {  	[sflag:s14] =	ssyncadd.s32 $0xFFFFD880;
	(pc) =	sbr.rel @p0 .LBB2_1-.Ltmp1, $4  }
0x42: {  	[hbm4b:s11+s3] =	stream.linear.scatter [tilespmem:s15], [sflag:$0x1], $0x2800, $0x38;
	[tilespmem:$0x1F400] =	vst v63  }
0x43: {  	_ =	swait.ge [sflag:s14], $0x2800  }
0x44: {  	[sflag:s14] =	ssyncset.done $0x0  }
0x45: {  	[sflag:s14] =	ssyncadd.s32 $0xFFFFD800  }
0x46: {  	_ =	sfence.sel $0x180000  }
0x47: {  	[bflag:$0x0] =	sbarrier.arrive $0xFFFF  }
0x48: {  	p0 =	sne.s32 s0, $0x0;
	_ =	strace $0x90000047  }
0x49: {  	s0 =	sadd.s32 @!p0 $0x100000, s1;
	[bflag:$0x2] =	sbarrier.arrive $0xFFFF  }
0x4a: {  	[sflag:s0] =	ssyncadd.tile.s32 @!p0 $0x1;
	_ =	shalt  }
.Lfunc_end2:
_tile_overlayer_lowered:
.L_overlay_start_2:
0x4b: {  	(tag) =	ssettag $0x2  }
0x4c: {  	s0 =	rddreg [dreg:$0x0];
	s2 =	stileid.u32  }
0x4d: {  	s1 =	rddreg [dreg:$0x1];
	p0 =	sne.s32 s2, $0x0  }
0x4e: {  	s3 =	rddreg [dreg:$0x2];
	[bflag:$0x3] =	sbarrier.arrive $0xFFFF;
	s2 =	simm.s32 @!p0 $0x1C01  }
0x4f: {  	[timem:s3], [sflag:s2] =	dma.local @!p0 [hbm:s0], s1  }
0x50: {  	s0 =	simm.s32 @!p0 $0x1  }
0x51: {  	_ =	swait.ge @!p0 [sflag:s0], s1  }
0x52: {  	s1 =	ssub.s32 @!p0 $0x0, s1;
	[sflag:s0] =	ssyncset.done @!p0 $0x0  }
0x53: {  	[sflag:s0] =	ssyncadd.s32 @!p0 s1  }
0x54: {  	[bflag:$0x3] =	sbarrier.arrive $0xFFFF  }
0x55: {  	_ =	shalt  }

</sc_bundles>
